<compile_context>
chip_gen: v7x
topology: tpu7x:2x2x1
jax: 0.10.2.dev20260603
libtpu: 0.0.44.dev20260713+nightly
codegen_flags: <defaults>
</compile_context>

<pallas_src>
import jax
import jax.numpy as jnp
from jax import lax
from jax.experimental import pallas as pl
from jax.experimental.pallas import tpu as pltpu
from jax.experimental.pallas import tpu_sc as plsc

BATCH = 16384
DIM = 128
NC = 2
NS = 16
NW = NC * NS
RPW = BATCH // NW
R = 128
C = RPW // R
LANES = 16


def _sep_bias_sc(x_hbm, lbl_hbm, scale_hbm, offset_hbm, o_hbm,
                 idx_v, s0, s1, b0, b1, x0, x1,
                 sem_idx, sem_in0, sem_in1, sem_out0, sem_out1):
    wid = lax.axis_index("subcore") * NC + lax.axis_index("core")
    base = wid * RPW

    sbufs = (s0, s1)
    bbufs = (b0, b1)
    xbufs = (x0, x1)
    sems_in = (sem_in0, sem_in1)
    sems_out = (sem_out0, sem_out1)

    def start_in(j, p):
        idx = idx_v.at[pl.ds(pl.multiple_of(j * R, R), R)]
        pltpu.async_copy(scale_hbm.at[idx], sbufs[p], sems_in[p])
        pltpu.async_copy(offset_hbm.at[idx], bbufs[p], sems_in[p])
        pltpu.async_copy(
            x_hbm.at[pl.ds(base + j * R, R)], xbufs[p], sems_in[p]
        )

    def wait_in(p):
        pltpu.make_async_copy(scale_hbm.at[pl.ds(0, R)], sbufs[p], sems_in[p]).wait()
        pltpu.make_async_copy(scale_hbm.at[pl.ds(0, R)], bbufs[p], sems_in[p]).wait()
        pltpu.make_async_copy(x_hbm.at[pl.ds(0, R)], xbufs[p], sems_in[p]).wait()

    def start_out(j, p):
        pltpu.async_copy(xbufs[p], o_hbm.at[pl.ds(base + j * R, R)], sems_out[p])

    def wait_out(p):
        pltpu.make_async_copy(xbufs[p], o_hbm.at[pl.ds(base, R)], sems_out[p]).wait()

    def compute(p):
        s_buf, b_buf, x_buf = sbufs[p], bbufs[p], xbufs[p]

        @plsc.parallel_loop(0, R)
        def _(r):
            for c in range(DIM // LANES):
                rs, cs = pl.ds(r, 1), pl.ds(c * LANES, LANES)
                x_buf.at[rs, cs][...] = (
                    s_buf.at[rs, cs][...] * x_buf.at[rs, cs][...]
                    + b_buf.at[rs, cs][...]
                )

    cx0 = pltpu.async_copy(x_hbm.at[pl.ds(base, R)], xbufs[0], sems_in[0])
    idx_cp = pltpu.async_copy(lbl_hbm.at[pl.ds(base, RPW)], idx_v, sem_idx)
    idx_cp.wait()
    idx = idx_v.at[pl.ds(0, R)]
    pltpu.async_copy(scale_hbm.at[idx], sbufs[0], sems_in[0])
    pltpu.async_copy(offset_hbm.at[idx], bbufs[0], sems_in[0])

    @pl.loop(0, C // 2)
    def _(t):
        wait_in(0)

        @pl.when(t > 0)
        def _():
            wait_out(1)

        start_in(2 * t + 1, 1)
        compute(0)
        start_out(2 * t, 0)
        wait_in(1)

        @pl.when(t < C // 2 - 1)
        def _():
            wait_out(0)
            start_in(2 * t + 2, 0)

        compute(1)
        start_out(2 * t + 1, 1)

    wait_out(0)
    wait_out(1)


def kernel(inputs, label, scale_table, offset_table):
    mesh = plsc.VectorSubcoreMesh(core_axis_name="core", subcore_axis_name="subcore")
    buf = pltpu.VMEM((R, DIM), jnp.float32)
    k = pl.kernel(
        _sep_bias_sc,
        out_type=jax.ShapeDtypeStruct((BATCH, DIM), jnp.float32),
        mesh=mesh,
        scratch_types=[
            pltpu.VMEM((RPW,), jnp.int32),
            buf, buf, buf, buf, buf, buf,
            pltpu.SemaphoreType.DMA,
            pltpu.SemaphoreType.DMA,
            pltpu.SemaphoreType.DMA,
            pltpu.SemaphoreType.DMA,
            pltpu.SemaphoreType.DMA,
        ],
    )
    return k(inputs, label.astype(jnp.int32), scale_table, offset_table)

# --- scband reference (transcript-rebuilt; emitter-appended) ---
"""Pipeline reference for scband-sep-bias-31258771981126 (READ-ONLY COPY).

The authoritative reference and input builder live on the scoring server;
editing this copy changes nothing except your own understanding.
"""

import jax, jax.numpy as jnp
import numpy as np

INPUT_DIMS = 100000
BATCH = 16384
DIM = 128

def setup_inputs(seed: int = 0) -> dict:
    key = jax.random.key(seed)
    k1, k2 = jax.random.split(key)
    inputs = jax.random.normal(k1, (BATCH, DIM), dtype=jnp.float32)
    label = jax.random.randint(k2, (BATCH,), 0, INPUT_DIMS, dtype=jnp.int64 if jax.config.jax_enable_x64 else jnp.int32)
    # learned parameters: Keras Embedding tables, scale init 'ones', offset init 'zeros'
    scale_table = jnp.ones((INPUT_DIMS, DIM), dtype=jnp.float32)
    offset_table = jnp.zeros((INPUT_DIMS, DIM), dtype=jnp.float32)
    return {"inputs": inputs, "label": label, "scale_table": scale_table, "offset_table": offset_table}

def reference(inputs, label, scale_table, offset_table):
    # sep_bias.call: self.scale(label) * inputs + self.offset(label)
    scale = jnp.take(scale_table, label, axis=0)   # [B, D] gather
    offset = jnp.take(offset_table, label, axis=0)  # [B, D] gather
    return scale * inputs + offset

if __name__ == "__main__":
    import jax
    _d = setup_inputs()
    print(jax.jit(kernel)(*tuple(_d.values())))

</pallas_src>

<mosaic_0001>
#map = affine_map<(d0, d1) -> (0, 0)>
#map1 = affine_map<(d0, d1) -> (0)>
module attributes {stable_mosaic.version = 14 : i64} {
  func.func @_sep_bias_sc(%arg0: i32, %arg1: i32, %arg2: memref<16384x128xf32, #tpu.memory_space<hbm>>, %arg3: memref<16384xi32, #tpu.memory_space<hbm>>, %arg4: memref<100000x128xf32, #tpu.memory_space<hbm>>, %arg5: memref<100000x128xf32, #tpu.memory_space<hbm>>, %arg6: memref<16384x128xf32, #tpu.memory_space<hbm>>, %arg7: memref<512xi32, #tpu.memory_space<vmem>>, %arg8: memref<128x128xf32, #tpu.memory_space<vmem>>, %arg9: memref<128x128xf32, #tpu.memory_space<vmem>>, %arg10: memref<128x128xf32, #tpu.memory_space<vmem>>, %arg11: memref<128x128xf32, #tpu.memory_space<vmem>>, %arg12: memref<128x128xf32, #tpu.memory_space<vmem>>, %arg13: memref<128x128xf32, #tpu.memory_space<vmem>>, %arg14: memref<!tpu.dma_semaphore, #tpu.memory_space<semaphore_mem>>, %arg15: memref<!tpu.dma_semaphore, #tpu.memory_space<semaphore_mem>>, %arg16: memref<!tpu.dma_semaphore, #tpu.memory_space<semaphore_mem>>, %arg17: memref<!tpu.dma_semaphore, #tpu.memory_space<semaphore_mem>>, %arg18: memref<!tpu.dma_semaphore, #tpu.memory_space<semaphore_mem>>) attributes {dimension_semantics = [#tpu.dimension_semantics<core_parallel>, #tpu.dimension_semantics<subcore_parallel>], iteration_bounds = array<i64: 2, 16>, scalar_prefetch = 0 : i64, scratch_operands = 12 : i64, tpu.core_type = #tpu.core_type<sc_vector_subcore>, window_params = [{transform_indices = #map}, {transform_indices = #map1}, {transform_indices = #map}, {transform_indices = #map}, {transform_indices = #map}]} {
    %mul3A = arith.constant 2 : i32
    %mul3A_0 = arith.muli %arg1, %mul3A : i32
    %add3A = arith.addi %mul3A_0, %arg0 : i32
    %mul3A_1 = arith.constant 512 : i32
    %mul3A_2 = arith.muli %add3A, %mul3A_1 : i32
    %dma_start3A = arith.constant 0 : i32
    %dma_start3A_3 = tpu.memref_slice %arg2[%mul3A_2, %dma_start3A] : memref<16384x128xf32, #tpu.memory_space<hbm>> -> memref<128x128xf32, #tpu.memory_space<hbm>>
    %dma_start3A_4 = arith.constant 0 : i32
    %dma_start3A_5 = tpu.memref_slice %arg2[%mul3A_2, %dma_start3A_4] : memref<16384x128xf32, #tpu.memory_space<hbm>> -> memref<128x128xf32, #tpu.memory_space<hbm>>
    tpu.enqueue_dma source(%dma_start3A_5 : memref<128x128xf32, #tpu.memory_space<hbm>>) target(%arg12 : memref<128x128xf32, #tpu.memory_space<vmem>>) target_semaphore(%arg15 : memref<!tpu.dma_semaphore, #tpu.memory_space<semaphore_mem>>)
    %dma_start3A_6 = tpu.memref_slice %arg3[%mul3A_2] : memref<16384xi32, #tpu.memory_space<hbm>> -> memref<512xi32, #tpu.memory_space<hbm>>
    %dma_start3A_7 = tpu.memref_slice %arg3[%mul3A_2] : memref<16384xi32, #tpu.memory_space<hbm>> -> memref<512xi32, #tpu.memory_space<hbm>>
    tpu.enqueue_dma source(%dma_start3A_7 : memref<512xi32, #tpu.memory_space<hbm>>) target(%arg7 : memref<512xi32, #tpu.memory_space<vmem>>) target_semaphore(%arg14 : memref<!tpu.dma_semaphore, #tpu.memory_space<semaphore_mem>>)
    %dma_wait3A = tpu.memref_slice %arg3[%mul3A_2] : memref<16384xi32, #tpu.memory_space<hbm>> -> memref<512xi32, #tpu.memory_space<hbm>>
    %dma_wait3A_8 = tpu.memref_slice %arg3[%mul3A_2] : memref<16384xi32, #tpu.memory_space<hbm>> -> memref<512xi32, #tpu.memory_space<hbm>>
    tpu.wait_dma2 semaphore(%arg14 : memref<!tpu.dma_semaphore, #tpu.memory_space<semaphore_mem>>) src(%dma_wait3A_8 : memref<512xi32, #tpu.memory_space<hbm>>) dst(%arg7 : memref<512xi32, #tpu.memory_space<vmem>>)
    %dma_start3A_9 = arith.constant 0 : i32
    %dma_start3A_10 = tpu.memref_slice %arg7[%dma_start3A_9] : memref<512xi32, #tpu.memory_space<vmem>> -> memref<128xi32, #tpu.memory_space<vmem>>
    %dma_start3A_11 = arith.constant 0 : i32
    %dma_start3A_12 = arith.constant 0 : i32
    %dma_start3A_13 = tpu.memref_slice %arg4[%dma_start3A_11, %dma_start3A_12] : memref<100000x128xf32, #tpu.memory_space<hbm>> -> memref<100000x128xf32, #tpu.memory_space<hbm>>
    tpu.enqueue_indirect_dma source(%dma_start3A_13 : memref<100000x128xf32, #tpu.memory_space<hbm>>) target(%arg8 : memref<128x128xf32, #tpu.memory_space<vmem>>) offsets(%dma_start3A_10 : memref<128xi32, #tpu.memory_space<vmem>>) semaphore(%arg15 : memref<!tpu.dma_semaphore, #tpu.memory_space<semaphore_mem>>)
    %dma_start3A_14 = arith.constant 0 : i32
    %dma_start3A_15 = tpu.memref_slice %arg7[%dma_start3A_14] : memref<512xi32, #tpu.memory_space<vmem>> -> memref<128xi32, #tpu.memory_space<vmem>>
    %dma_start3A_16 = arith.constant 0 : i32
    %dma_start3A_17 = arith.constant 0 : i32
    %dma_start3A_18 = tpu.memref_slice %arg5[%dma_start3A_16, %dma_start3A_17] : memref<100000x128xf32, #tpu.memory_space<hbm>> -> memref<100000x128xf32, #tpu.memory_space<hbm>>
    tpu.enqueue_indirect_dma source(%dma_start3A_18 : memref<100000x128xf32, #tpu.memory_space<hbm>>) target(%arg10 : memref<128x128xf32, #tpu.memory_space<vmem>>) offsets(%dma_start3A_15 : memref<128xi32, #tpu.memory_space<vmem>>) semaphore(%arg15 : memref<!tpu.dma_semaphore, #tpu.memory_space<semaphore_mem>>)
    %scan3A = arith.constant 0 : i32
    %scan3A_19 = arith.constant 2 : i32
    %scan3A_20 = arith.addi %scan3A, %scan3A_19 : i32
    %scan3A_21 = arith.constant 1 : i32
    scf.for %scan3A_31 = %scan3A to %scan3A_20 step %scan3A_21  : i32 {
      %mul3A_32 = arith.constant 1 : i32
      %mul3A_33 = arith.muli %scan3A_31, %mul3A_32 : i32
      %add3A_34 = arith.constant 0 : i32
      %add3A_35 = arith.addi %add3A_34, %mul3A_33 : i32
      %dma_wait3A_36 = arith.constant 0 : i32
      %dma_wait3A_37 = arith.constant 0 : i32
      %dma_wait3A_38 = tpu.memref_slice %arg4[%dma_wait3A_36, %dma_wait3A_37] : memref<100000x128xf32, #tpu.memory_space<hbm>> -> memref<128x128xf32, #tpu.memory_space<hbm>>
      %dma_wait3A_39 = arith.constant 0 : i32
      %dma_wait3A_40 = arith.constant 0 : i32
      %dma_wait3A_41 = tpu.memref_slice %arg4[%dma_wait3A_39, %dma_wait3A_40] : memref<100000x128xf32, #tpu.memory_space<hbm>> -> memref<128x128xf32, #tpu.memory_space<hbm>>
      tpu.wait_dma2 semaphore(%arg15 : memref<!tpu.dma_semaphore, #tpu.memory_space<semaphore_mem>>) src(%dma_wait3A_41 : memref<128x128xf32, #tpu.memory_space<hbm>>) dst(%arg8 : memref<128x128xf32, #tpu.memory_space<vmem>>)
      %dma_wait3A_42 = arith.constant 0 : i32
      %dma_wait3A_43 = arith.constant 0 : i32
      %dma_wait3A_44 = tpu.memref_slice %arg4[%dma_wait3A_42, %dma_wait3A_43] : memref<100000x128xf32, #tpu.memory_space<hbm>> -> memref<128x128xf32, #tpu.memory_space<hbm>>
      %dma_wait3A_45 = arith.constant 0 : i32
      %dma_wait3A_46 = arith.constant 0 : i32
      %dma_wait3A_47 = tpu.memref_slice %arg4[%dma_wait3A_45, %dma_wait3A_46] : memref<100000x128xf32, #tpu.memory_space<hbm>> -> memref<128x128xf32, #tpu.memory_space<hbm>>
      tpu.wait_dma2 semaphore(%arg15 : memref<!tpu.dma_semaphore, #tpu.memory_space<semaphore_mem>>) src(%dma_wait3A_47 : memref<128x128xf32, #tpu.memory_space<hbm>>) dst(%arg10 : memref<128x128xf32, #tpu.memory_space<vmem>>)
      %dma_wait3A_48 = arith.constant 0 : i32
      %dma_wait3A_49 = arith.constant 0 : i32
      %dma_wait3A_50 = tpu.memref_slice %arg2[%dma_wait3A_48, %dma_wait3A_49] : memref<16384x128xf32, #tpu.memory_space<hbm>> -> memref<128x128xf32, #tpu.memory_space<hbm>>
      %dma_wait3A_51 = arith.constant 0 : i32
      %dma_wait3A_52 = arith.constant 0 : i32
      %dma_wait3A_53 = tpu.memref_slice %arg2[%dma_wait3A_51, %dma_wait3A_52] : memref<16384x128xf32, #tpu.memory_space<hbm>> -> memref<128x128xf32, #tpu.memory_space<hbm>>
      tpu.wait_dma2 semaphore(%arg15 : memref<!tpu.dma_semaphore, #tpu.memory_space<semaphore_mem>>) src(%dma_wait3A_53 : memref<128x128xf32, #tpu.memory_space<hbm>>) dst(%arg12 : memref<128x128xf32, #tpu.memory_space<vmem>>)
      %gt3A = arith.constant 0 : i32
      %gt3A_54 = arith.cmpi sgt, %add3A_35, %gt3A : i32
      %convert_element_type3A = arith.extui %gt3A_54 : i1 to i32
      %cond3A = arith.constant 0 : i32
      %cond3A_55 = arith.cmpi ne, %convert_element_type3A, %cond3A : i32
      scf.if %cond3A_55 {
        %dma_wait3A_124 = arith.constant 0 : i32
        %dma_wait3A_125 = tpu.memref_slice %arg6[%mul3A_2, %dma_wait3A_124] : memref<16384x128xf32, #tpu.memory_space<hbm>> -> memref<128x128xf32, #tpu.memory_space<hbm>>
        %dma_wait3A_126 = arith.constant 0 : i32
        %dma_wait3A_127 = tpu.memref_slice %arg6[%mul3A_2, %dma_wait3A_126] : memref<16384x128xf32, #tpu.memory_space<hbm>> -> memref<128x128xf32, #tpu.memory_space<hbm>>
        tpu.wait_dma2 semaphore(%arg18 : memref<!tpu.dma_semaphore, #tpu.memory_space<semaphore_mem>>) src(%arg13 : memref<128x128xf32, #tpu.memory_space<vmem>>) dst(%dma_wait3A_127 : memref<128x128xf32, #tpu.memory_space<hbm>>)
      } else {
      }
      %mul3A_56 = arith.constant 2 : i32
      %mul3A_57 = arith.muli %mul3A_56, %add3A_35 : i32
      %add3A_58 = arith.constant 1 : i32
      %add3A_59 = arith.addi %mul3A_57, %add3A_58 : i32
      %mul3A_60 = arith.constant 128 : i32
      %mul3A_61 = arith.muli %add3A_59, %mul3A_60 : i32
      %multiple_of3A = tpu.assume_multiple %mul3A_61, 128 : i32
      %dma_start3A_62 = tpu.memref_slice %arg7[%multiple_of3A] : memref<512xi32, #tpu.memory_space<vmem>> -> memref<128xi32, #tpu.memory_space<vmem>>
      %dma_start3A_63 = arith.constant 0 : i32
      %dma_start3A_64 = arith.constant 0 : i32
      %dma_start3A_65 = tpu.memref_slice %arg4[%dma_start3A_63, %dma_start3A_64] : memref<100000x128xf32, #tpu.memory_space<hbm>> -> memref<100000x128xf32, #tpu.memory_space<hbm>>
      tpu.enqueue_indirect_dma source(%dma_start3A_65 : memref<100000x128xf32, #tpu.memory_space<hbm>>) target(%arg9 : memref<128x128xf32, #tpu.memory_space<vmem>>) offsets(%dma_start3A_62 : memref<128xi32, #tpu.memory_space<vmem>>) semaphore(%arg16 : memref<!tpu.dma_semaphore, #tpu.memory_space<semaphore_mem>>)
      %dma_start3A_66 = tpu.memref_slice %arg7[%multiple_of3A] : memref<512xi32, #tpu.memory_space<vmem>> -> memref<128xi32, #tpu.memory_space<vmem>>
      %dma_start3A_67 = arith.constant 0 : i32
      %dma_start3A_68 = arith.constant 0 : i32
      %dma_start3A_69 = tpu.memref_slice %arg5[%dma_start3A_67, %dma_start3A_68] : memref<100000x128xf32, #tpu.memory_space<hbm>> -> memref<100000x128xf32, #tpu.memory_space<hbm>>
      tpu.enqueue_indirect_dma source(%dma_start3A_69 : memref<100000x128xf32, #tpu.memory_space<hbm>>) target(%arg11 : memref<128x128xf32, #tpu.memory_space<vmem>>) offsets(%dma_start3A_66 : memref<128xi32, #tpu.memory_space<vmem>>) semaphore(%arg16 : memref<!tpu.dma_semaphore, #tpu.memory_space<semaphore_mem>>)
      %mul3A_70 = arith.constant 128 : i32
      %mul3A_71 = arith.muli %add3A_59, %mul3A_70 : i32
      %add3A_72 = arith.addi %mul3A_2, %mul3A_71 : i32
      %dma_start3A_73 = arith.constant 0 : i32
      %dma_start3A_74 = tpu.memref_slice %arg2[%add3A_72, %dma_start3A_73] : memref<16384x128xf32, #tpu.memory_space<hbm>> -> memref<128x128xf32, #tpu.memory_space<hbm>>
      %dma_start3A_75 = arith.constant 0 : i32
      %dma_start3A_76 = tpu.memref_slice %arg2[%add3A_72, %dma_start3A_75] : memref<16384x128xf32, #tpu.memory_space<hbm>> -> memref<128x128xf32, #tpu.memory_space<hbm>>
      tpu.enqueue_dma source(%dma_start3A_76 : memref<128x128xf32, #tpu.memory_space<hbm>>) target(%arg13 : memref<128x128xf32, #tpu.memory_space<vmem>>) target_semaphore(%arg16 : memref<!tpu.dma_semaphore, #tpu.memory_space<semaphore_mem>>)
      %parallel_loop3A = arith.constant 0 : i32
      %parallel_loop3A_77 = arith.constant 128 : i32
      %parallel_loop3A_78 = arith.constant 1 : i32
      scf.for %parallel_loop3A_124 = %parallel_loop3A to %parallel_loop3A_77 step %parallel_loop3A_78  : i32 {
        %parallel_loop3A_125 = arith.index_cast %parallel_loop3A_124 : i32 to index
        %parallel_loop3A_126 = arith.constant 0 : index
        %parallel_loop3A_127 = tpu.vector_load %arg8[%parallel_loop3A_125, %parallel_loop3A_126] {strides = array<i32>} : memref<128x128xf32, #tpu.memory_space<vmem>>, vector<1x16xf32>,
        %parallel_loop3A_128 = vector.shape_cast %parallel_loop3A_127 : vector<1x16xf32> to vector<1x16xf32>
        %parallel_loop3A_129 = arith.index_cast %parallel_loop3A_124 : i32 to index
        %parallel_loop3A_130 = arith.constant 0 : index
        %parallel_loop3A_131 = tpu.vector_load %arg12[%parallel_loop3A_129, %parallel_loop3A_130] {strides = array<i32>} : memref<128x128xf32, #tpu.memory_space<vmem>>, vector<1x16xf32>,
        %parallel_loop3A_132 = vector.shape_cast %parallel_loop3A_131 : vector<1x16xf32> to vector<1x16xf32>
        %parallel_loop3A_133 = arith.mulf %parallel_loop3A_128, %parallel_loop3A_132 : vector<1x16xf32>
        %parallel_loop3A_134 = arith.index_cast %parallel_loop3A_124 : i32 to index
        %parallel_loop3A_135 = arith.constant 0 : index
        %parallel_loop3A_136 = tpu.vector_load %arg10[%parallel_loop3A_134, %parallel_loop3A_135] {strides = array<i32>} : memref<128x128xf32, #tpu.memory_space<vmem>>, vector<1x16xf32>,
        %parallel_loop3A_137 = vector.shape_cast %parallel_loop3A_136 : vector<1x16xf32> to vector<1x16xf32>
        %parallel_loop3A_138 = arith.addf %parallel_loop3A_133, %parallel_loop3A_137 : vector<1x16xf32>
        %parallel_loop3A_139 = arith.index_cast %parallel_loop3A_124 : i32 to index
        %parallel_loop3A_140 = arith.constant 0 : index
        %parallel_loop3A_141 = tpu.vector_load %arg12[%parallel_loop3A_139, %parallel_loop3A_140] {strides = array<i32>} : memref<128x128xf32, #tpu.memory_space<vmem>>, vector<1x16xf32>,
        %parallel_loop3A_142 = vector.shape_cast %parallel_loop3A_141 : vector<1x16xf32> to vector<1x16xf32>
        %parallel_loop3A_143 = vector.shape_cast %parallel_loop3A_138 : vector<1x16xf32> to vector<1x16xf32>
        tpu.vector_store %arg12[%parallel_loop3A_139, %parallel_loop3A_140], %parallel_loop3A_143 {strides = array<i32>} : memref<128x128xf32, #tpu.memory_space<vmem>>, vector<1x16xf32>,
        %parallel_loop3A_144 = arith.index_cast %parallel_loop3A_124 : i32 to index
        %parallel_loop3A_145 = arith.constant 16 : index
        %parallel_loop3A_146 = tpu.vector_load %arg8[%parallel_loop3A_144, %parallel_loop3A_145] {strides = array<i32>} : memref<128x128xf32, #tpu.memory_space<vmem>>, vector<1x16xf32>,
        %parallel_loop3A_147 = vector.shape_cast %parallel_loop3A_146 : vector<1x16xf32> to vector<1x16xf32>
        %parallel_loop3A_148 = arith.index_cast %parallel_loop3A_124 : i32 to index
        %parallel_loop3A_149 = arith.constant 16 : index
        %parallel_loop3A_150 = tpu.vector_load %arg12[%parallel_loop3A_148, %parallel_loop3A_149] {strides = array<i32>} : memref<128x128xf32, #tpu.memory_space<vmem>>, vector<1x16xf32>,
        %parallel_loop3A_151 = vector.shape_cast %parallel_loop3A_150 : vector<1x16xf32> to vector<1x16xf32>
        %parallel_loop3A_152 = arith.mulf %parallel_loop3A_147, %parallel_loop3A_151 : vector<1x16xf32>
        %parallel_loop3A_153 = arith.index_cast %parallel_loop3A_124 : i32 to index
        %parallel_loop3A_154 = arith.constant 16 : index
        %parallel_loop3A_155 = tpu.vector_load %arg10[%parallel_loop3A_153, %parallel_loop3A_154] {strides = array<i32>} : memref<128x128xf32, #tpu.memory_space<vmem>>, vector<1x16xf32>,
        %parallel_loop3A_156 = vector.shape_cast %parallel_loop3A_155 : vector<1x16xf32> to vector<1x16xf32>
        %parallel_loop3A_157 = arith.addf %parallel_loop3A_152, %parallel_loop3A_156 : vector<1x16xf32>
        %parallel_loop3A_158 = arith.index_cast %parallel_loop3A_124 : i32 to index
        %parallel_loop3A_159 = arith.constant 16 : index
        %parallel_loop3A_160 = tpu.vector_load %arg12[%parallel_loop3A_158, %parallel_loop3A_159] {strides = array<i32>} : memref<128x128xf32, #tpu.memory_space<vmem>>, vector<1x16xf32>,
        %parallel_loop3A_161 = vector.shape_cast %parallel_loop3A_160 : vector<1x16xf32> to vector<1x16xf32>
        %parallel_loop3A_162 = vector.shape_cast %parallel_loop3A_157 : vector<1x16xf32> to vector<1x16xf32>
        tpu.vector_store %arg12[%parallel_loop3A_158, %parallel_loop3A_159], %parallel_loop3A_162 {strides = array<i32>} : memref<128x128xf32, #tpu.memory_space<vmem>>, vector<1x16xf32>,
        %parallel_loop3A_163 = arith.index_cast %parallel_loop3A_124 : i32 to index
        %parallel_loop3A_164 = arith.constant 32 : index
        %parallel_loop3A_165 = tpu.vector_load %arg8[%parallel_loop3A_163, %parallel_loop3A_164] {strides = array<i32>} : memref<128x128xf32, #tpu.memory_space<vmem>>, vector<1x16xf32>,
        %parallel_loop3A_166 = vector.shape_cast %parallel_loop3A_165 : vector<1x16xf32> to vector<1x16xf32>
        %parallel_loop3A_167 = arith.index_cast %parallel_loop3A_124 : i32 to index
        %parallel_loop3A_168 = arith.constant 32 : index
        %parallel_loop3A_169 = tpu.vector_load %arg12[%parallel_loop3A_167, %parallel_loop3A_168] {strides = array<i32>} : memref<128x128xf32, #tpu.memory_space<vmem>>, vector<1x16xf32>,
        %parallel_loop3A_170 = vector.shape_cast %parallel_loop3A_169 : vector<1x16xf32> to vector<1x16xf32>
        %parallel_loop3A_171 = arith.mulf %parallel_loop3A_166, %parallel_loop3A_170 : vector<1x16xf32>
        %parallel_loop3A_172 = arith.index_cast %parallel_loop3A_124 : i32 to index
        %parallel_loop3A_173 = arith.constant 32 : index
        %parallel_loop3A_174 = tpu.vector_load %arg10[%parallel_loop3A_172, %parallel_loop3A_173] {strides = array<i32>} : memref<128x128xf32, #tpu.memory_space<vmem>>, vector<1x16xf32>,
        %parallel_loop3A_175 = vector.shape_cast %parallel_loop3A_174 : vector<1x16xf32> to vector<1x16xf32>
        %parallel_loop3A_176 = arith.addf %parallel_loop3A_171, %parallel_loop3A_175 : vector<1x16xf32>
        %parallel_loop3A_177 = arith.index_cast %parallel_loop3A_124 : i32 to index
        %parallel_loop3A_178 = arith.constant 32 : index
        %parallel_loop3A_179 = tpu.vector_load %arg12[%parallel_loop3A_177, %parallel_loop3A_178] {strides = array<i32>} : memref<128x128xf32, #tpu.memory_space<vmem>>, vector<1x16xf32>,
        %parallel_loop3A_180 = vector.shape_cast %parallel_loop3A_179 : vector<1x16xf32> to vector<1x16xf32>
        %parallel_loop3A_181 = vector.shape_cast %parallel_loop3A_176 : vector<1x16xf32> to vector<1x16xf32>
        tpu.vector_store %arg12[%parallel_loop3A_177, %parallel_loop3A_178], %parallel_loop3A_181 {strides = array<i32>} : memref<128x128xf32, #tpu.memory_space<vmem>>, vector<1x16xf32>,
        %parallel_loop3A_182 = arith.index_cast %parallel_loop3A_124 : i32 to index
        %parallel_loop3A_183 = arith.constant 48 : index
        %parallel_loop3A_184 = tpu.vector_load %arg8[%parallel_loop3A_182, %parallel_loop3A_183] {strides = array<i32>} : memref<128x128xf32, #tpu.memory_space<vmem>>, vector<1x16xf32>,
        %parallel_loop3A_185 = vector.shape_cast %parallel_loop3A_184 : vector<1x16xf32> to vector<1x16xf32>
        %parallel_loop3A_186 = arith.index_cast %parallel_loop3A_124 : i32 to index
        %parallel_loop3A_187 = arith.constant 48 : index
        %parallel_loop3A_188 = tpu.vector_load %arg12[%parallel_loop3A_186, %parallel_loop3A_187] {strides = array<i32>} : memref<128x128xf32, #tpu.memory_space<vmem>>, vector<1x16xf32>,
        %parallel_loop3A_189 = vector.shape_cast %parallel_loop3A_188 : vector<1x16xf32> to vector<1x16xf32>
        %parallel_loop3A_190 = arith.mulf %parallel_loop3A_185, %parallel_loop3A_189 : vector<1x16xf32>
        %parallel_loop3A_191 = arith.index_cast %parallel_loop3A_124 : i32 to index
        %parallel_loop3A_192 = arith.constant 48 : index
        %parallel_loop3A_193 = tpu.vector_load %arg10[%parallel_loop3A_191, %parallel_loop3A_192] {strides = array<i32>} : memref<128x128xf32, #tpu.memory_space<vmem>>, vector<1x16xf32>,
        %parallel_loop3A_194 = vector.shape_cast %parallel_loop3A_193 : vector<1x16xf32> to vector<1x16xf32>
        %parallel_loop3A_195 = arith.addf %parallel_loop3A_190, %parallel_loop3A_194 : vector<1x16xf32>
        %parallel_loop3A_196 = arith.index_cast %parallel_loop3A_124 : i32 to index
        %parallel_loop3A_197 = arith.constant 48 : index
        %parallel_loop3A_198 = tpu.vector_load %arg12[%parallel_loop3A_196, %parallel_loop3A_197] {strides = array<i32>} : memref<128x128xf32, #tpu.memory_space<vmem>>, vector<1x16xf32>,
        %parallel_loop3A_199 = vector.shape_cast %parallel_loop3A_198 : vector<1x16xf32> to vector<1x16xf32>
        %parallel_loop3A_200 = vector.shape_cast %parallel_loop3A_195 : vector<1x16xf32> to vector<1x16xf32>
        tpu.vector_store %arg12[%parallel_loop3A_196, %parallel_loop3A_197], %parallel_loop3A_200 {strides = array<i32>} : memref<128x128xf32, #tpu.memory_space<vmem>>, vector<1x16xf32>,
        %parallel_loop3A_201 = arith.index_cast %parallel_loop3A_124 : i32 to index
        %parallel_loop3A_202 = arith.constant 64 : index
        %parallel_loop3A_203 = tpu.vector_load %arg8[%parallel_loop3A_201, %parallel_loop3A_202] {strides = array<i32>} : memref<128x128xf32, #tpu.memory_space<vmem>>, vector<1x16xf32>,
        %parallel_loop3A_204 = vector.shape_cast %parallel_loop3A_203 : vector<1x16xf32> to vector<1x16xf32>
        %parallel_loop3A_205 = arith.index_cast %parallel_loop3A_124 : i32 to index
        %parallel_loop3A_206 = arith.constant 64 : index
        %parallel_loop3A_207 = tpu.vector_load %arg12[%parallel_loop3A_205, %parallel_loop3A_206] {strides = array<i32>} : memref<128x128xf32, #tpu.memory_space<vmem>>, vector<1x16xf32>,
        %parallel_loop3A_208 = vector.shape_cast %parallel_loop3A_207 : vector<1x16xf32> to vector<1x16xf32>
        %parallel_loop3A_209 = arith.mulf %parallel_loop3A_204, %parallel_loop3A_208 : vector<1x16xf32>
        %parallel_loop3A_210 = arith.index_cast %parallel_loop3A_124 : i32 to index
        %parallel_loop3A_211 = arith.constant 64 : index
        %parallel_loop3A_212 = tpu.vector_load %arg10[%parallel_loop3A_210, %parallel_loop3A_211] {strides = array<i32>} : memref<128x128xf32, #tpu.memory_space<vmem>>, vector<1x16xf32>,
        %parallel_loop3A_213 = vector.shape_cast %parallel_loop3A_212 : vector<1x16xf32> to vector<1x16xf32>
        %parallel_loop3A_214 = arith.addf %parallel_loop3A_209, %parallel_loop3A_213 : vector<1x16xf32>
        %parallel_loop3A_215 = arith.index_cast %parallel_loop3A_124 : i32 to index
        %parallel_loop3A_216 = arith.constant 64 : index
        %parallel_loop3A_217 = tpu.vector_load %arg12[%parallel_loop3A_215, %parallel_loop3A_216] {strides = array<i32>} : memref<128x128xf32, #tpu.memory_space<vmem>>, vector<1x16xf32>,
        %parallel_loop3A_218 = vector.shape_cast %parallel_loop3A_217 : vector<1x16xf32> to vector<1x16xf32>
        %parallel_loop3A_219 = vector.shape_cast %parallel_loop3A_214 : vector<1x16xf32> to vector<1x16xf32>
        tpu.vector_store %arg12[%parallel_loop3A_215, %parallel_loop3A_216], %parallel_loop3A_219 {strides = array<i32>} : memref<128x128xf32, #tpu.memory_space<vmem>>, vector<1x16xf32>,
        %parallel_loop3A_220 = arith.index_cast %parallel_loop3A_124 : i32 to index
        %parallel_loop3A_221 = arith.constant 80 : index
        %parallel_loop3A_222 = tpu.vector_load %arg8[%parallel_loop3A_220, %parallel_loop3A_221] {strides = array<i32>} : memref<128x128xf32, #tpu.memory_space<vmem>>, vector<1x16xf32>,
        %parallel_loop3A_223 = vector.shape_cast %parallel_loop3A_222 : vector<1x16xf32> to vector<1x16xf32>
        %parallel_loop3A_224 = arith.index_cast %parallel_loop3A_124 : i32 to index
        %parallel_loop3A_225 = arith.constant 80 : index
        %parallel_loop3A_226 = tpu.vector_load %arg12[%parallel_loop3A_224, %parallel_loop3A_225] {strides = array<i32>} : memref<128x128xf32, #tpu.memory_space<vmem>>, vector<1x16xf32>,
        %parallel_loop3A_227 = vector.shape_cast %parallel_loop3A_226 : vector<1x16xf32> to vector<1x16xf32>
        %parallel_loop3A_228 = arith.mulf %parallel_loop3A_223, %parallel_loop3A_227 : vector<1x16xf32>
        %parallel_loop3A_229 = arith.index_cast %parallel_loop3A_124 : i32 to index
        %parallel_loop3A_230 = arith.constant 80 : index
        %parallel_loop3A_231 = tpu.vector_load %arg10[%parallel_loop3A_229, %parallel_loop3A_230] {strides = array<i32>} : memref<128x128xf32, #tpu.memory_space<vmem>>, vector<1x16xf32>,
        %parallel_loop3A_232 = vector.shape_cast %parallel_loop3A_231 : vector<1x16xf32> to vector<1x16xf32>
        %parallel_loop3A_233 = arith.addf %parallel_loop3A_228, %parallel_loop3A_232 : vector<1x16xf32>
        %parallel_loop3A_234 = arith.index_cast %parallel_loop3A_124 : i32 to index
        %parallel_loop3A_235 = arith.constant 80 : index
        %parallel_loop3A_236 = tpu.vector_load %arg12[%parallel_loop3A_234, %parallel_loop3A_235] {strides = array<i32>} : memref<128x128xf32, #tpu.memory_space<vmem>>, vector<1x16xf32>,
        %parallel_loop3A_237 = vector.shape_cast %parallel_loop3A_236 : vector<1x16xf32> to vector<1x16xf32>
        %parallel_loop3A_238 = vector.shape_cast %parallel_loop3A_233 : vector<1x16xf32> to vector<1x16xf32>
        tpu.vector_store %arg12[%parallel_loop3A_234, %parallel_loop3A_235], %parallel_loop3A_238 {strides = array<i32>} : memref<128x128xf32, #tpu.memory_space<vmem>>, vector<1x16xf32>,
        %parallel_loop3A_239 = arith.index_cast %parallel_loop3A_124 : i32 to index
        %parallel_loop3A_240 = arith.constant 96 : index
        %parallel_loop3A_241 = tpu.vector_load %arg8[%parallel_loop3A_239, %parallel_loop3A_240] {strides = array<i32>} : memref<128x128xf32, #tpu.memory_space<vmem>>, vector<1x16xf32>,
        %parallel_loop3A_242 = vector.shape_cast %parallel_loop3A_241 : vector<1x16xf32> to vector<1x16xf32>
        %parallel_loop3A_243 = arith.index_cast %parallel_loop3A_124 : i32 to index
        %parallel_loop3A_244 = arith.constant 96 : index
        %parallel_loop3A_245 = tpu.vector_load %arg12[%parallel_loop3A_243, %parallel_loop3A_244] {strides = array<i32>} : memref<128x128xf32, #tpu.memory_space<vmem>>, vector<1x16xf32>,
        %parallel_loop3A_246 = vector.shape_cast %parallel_loop3A_245 : vector<1x16xf32> to vector<1x16xf32>
        %parallel_loop3A_247 = arith.mulf %parallel_loop3A_242, %parallel_loop3A_246 : vector<1x16xf32>
        %parallel_loop3A_248 = arith.index_cast %parallel_loop3A_124 : i32 to index
        %parallel_loop3A_249 = arith.constant 96 : index
        %parallel_loop3A_250 = tpu.vector_load %arg10[%parallel_loop3A_248, %parallel_loop3A_249] {strides = array<i32>} : memref<128x128xf32, #tpu.memory_space<vmem>>, vector<1x16xf32>,
        %parallel_loop3A_251 = vector.shape_cast %parallel_loop3A_250 : vector<1x16xf32> to vector<1x16xf32>
        %parallel_loop3A_252 = arith.addf %parallel_loop3A_247, %parallel_loop3A_251 : vector<1x16xf32>
        %parallel_loop3A_253 = arith.index_cast %parallel_loop3A_124 : i32 to index
        %parallel_loop3A_254 = arith.constant 96 : index
        %parallel_loop3A_255 = tpu.vector_load %arg12[%parallel_loop3A_253, %parallel_loop3A_254] {strides = array<i32>} : memref<128x128xf32, #tpu.memory_space<vmem>>, vector<1x16xf32>,
        %parallel_loop3A_256 = vector.shape_cast %parallel_loop3A_255 : vector<1x16xf32> to vector<1x16xf32>
        %parallel_loop3A_257 = vector.shape_cast %parallel_loop3A_252 : vector<1x16xf32> to vector<1x16xf32>
        tpu.vector_store %arg12[%parallel_loop3A_253, %parallel_loop3A_254], %parallel_loop3A_257 {strides = array<i32>} : memref<128x128xf32, #tpu.memory_space<vmem>>, vector<1x16xf32>,
        %parallel_loop3A_258 = arith.index_cast %parallel_loop3A_124 : i32 to index
        %parallel_loop3A_259 = arith.constant 112 : index
        %parallel_loop3A_260 = tpu.vector_load %arg8[%parallel_loop3A_258, %parallel_loop3A_259] {strides = array<i32>} : memref<128x128xf32, #tpu.memory_space<vmem>>, vector<1x16xf32>,
        %parallel_loop3A_261 = vector.shape_cast %parallel_loop3A_260 : vector<1x16xf32> to vector<1x16xf32>
        %parallel_loop3A_262 = arith.index_cast %parallel_loop3A_124 : i32 to index
        %parallel_loop3A_263 = arith.constant 112 : index
        %parallel_loop3A_264 = tpu.vector_load %arg12[%parallel_loop3A_262, %parallel_loop3A_263] {strides = array<i32>} : memref<128x128xf32, #tpu.memory_space<vmem>>, vector<1x16xf32>,
        %parallel_loop3A_265 = vector.shape_cast %parallel_loop3A_264 : vector<1x16xf32> to vector<1x16xf32>
        %parallel_loop3A_266 = arith.mulf %parallel_loop3A_261, %parallel_loop3A_265 : vector<1x16xf32>
        %parallel_loop3A_267 = arith.index_cast %parallel_loop3A_124 : i32 to index
        %parallel_loop3A_268 = arith.constant 112 : index
        %parallel_loop3A_269 = tpu.vector_load %arg10[%parallel_loop3A_267, %parallel_loop3A_268] {strides = array<i32>} : memref<128x128xf32, #tpu.memory_space<vmem>>, vector<1x16xf32>,
        %parallel_loop3A_270 = vector.shape_cast %parallel_loop3A_269 : vector<1x16xf32> to vector<1x16xf32>
        %parallel_loop3A_271 = arith.addf %parallel_loop3A_266, %parallel_loop3A_270 : vector<1x16xf32>
        %parallel_loop3A_272 = arith.index_cast %parallel_loop3A_124 : i32 to index
        %parallel_loop3A_273 = arith.constant 112 : index
        %parallel_loop3A_274 = tpu.vector_load %arg12[%parallel_loop3A_272, %parallel_loop3A_273] {strides = array<i32>} : memref<128x128xf32, #tpu.memory_space<vmem>>, vector<1x16xf32>,
        %parallel_loop3A_275 = vector.shape_cast %parallel_loop3A_274 : vector<1x16xf32> to vector<1x16xf32>
        %parallel_loop3A_276 = vector.shape_cast %parallel_loop3A_271 : vector<1x16xf32> to vector<1x16xf32>
        tpu.vector_store %arg12[%parallel_loop3A_272, %parallel_loop3A_273], %parallel_loop3A_276 {strides = array<i32>} : memref<128x128xf32, #tpu.memory_space<vmem>>, vector<1x16xf32>,
      } {sc.loop_unroll_factor = 1 : i64, sc.parallel_access}
      %mul3A_79 = arith.constant 2 : i32
      %mul3A_80 = arith.muli %mul3A_79, %add3A_35 : i32
      %mul3A_81 = arith.constant 128 : i32
      %mul3A_82 = arith.muli %mul3A_80, %mul3A_81 : i32
      %add3A_83 = arith.addi %mul3A_2, %mul3A_82 : i32
      %dma_start3A_84 = arith.constant 0 : i32
      %dma_start3A_85 = tpu.memref_slice %arg6[%add3A_83, %dma_start3A_84] : memref<16384x128xf32, #tpu.memory_space<hbm>> -> memref<128x128xf32, #tpu.memory_space<hbm>>
      %dma_start3A_86 = arith.constant 0 : i32
      %dma_start3A_87 = tpu.memref_slice %arg6[%add3A_83, %dma_start3A_86] : memref<16384x128xf32, #tpu.memory_space<hbm>> -> memref<128x128xf32, #tpu.memory_space<hbm>>
      tpu.enqueue_dma source(%arg12 : memref<128x128xf32, #tpu.memory_space<vmem>>) target(%dma_start3A_87 : memref<128x128xf32, #tpu.memory_space<hbm>>) target_semaphore(%arg17 : memref<!tpu.dma_semaphore, #tpu.memory_space<semaphore_mem>>)
      %dma_wait3A_88 = arith.constant 0 : i32
      %dma_wait3A_89 = arith.constant 0 : i32
      %dma_wait3A_90 = tpu.memref_slice %arg4[%dma_wait3A_88, %dma_wait3A_89] : memref<100000x128xf32, #tpu.memory_space<hbm>> -> memref<128x128xf32, #tpu.memory_space<hbm>>
      %dma_wait3A_91 = arith.constant 0 : i32
      %dma_wait3A_92 = arith.constant 0 : i32
      %dma_wait3A_93 = tpu.memref_slice %arg4[%dma_wait3A_91, %dma_wait3A_92] : memref<100000x128xf32, #tpu.memory_space<hbm>> -> memref<128x128xf32, #tpu.memory_space<hbm>>
      tpu.wait_dma2 semaphore(%arg16 : memref<!tpu.dma_semaphore, #tpu.memory_space<semaphore_mem>>) src(%dma_wait3A_93 : memref<128x128xf32, #tpu.memory_space<hbm>>) dst(%arg9 : memref<128x128xf32, #tpu.memory_space<vmem>>)
      %dma_wait3A_94 = arith.constant 0 : i32
      %dma_wait3A_95 = arith.constant 0 : i32
      %dma_wait3A_96 = tpu.memref_slice %arg4[%dma_wait3A_94, %dma_wait3A_95] : memref<100000x128xf32, #tpu.memory_space<hbm>> -> memref<128x128xf32, #tpu.memory_space<hbm>>
      %dma_wait3A_97 = arith.constant 0 : i32
      %dma_wait3A_98 = arith.constant 0 : i32
      %dma_wait3A_99 = tpu.memref_slice %arg4[%dma_wait3A_97, %dma_wait3A_98] : memref<100000x128xf32, #tpu.memory_space<hbm>> -> memref<128x128xf32, #tpu.memory_space<hbm>>
      tpu.wait_dma2 semaphore(%arg16 : memref<!tpu.dma_semaphore, #tpu.memory_space<semaphore_mem>>) src(%dma_wait3A_99 : memref<128x128xf32, #tpu.memory_space<hbm>>) dst(%arg11 : memref<128x128xf32, #tpu.memory_space<vmem>>)
      %dma_wait3A_100 = arith.constant 0 : i32
      %dma_wait3A_101 = arith.constant 0 : i32
      %dma_wait3A_102 = tpu.memref_slice %arg2[%dma_wait3A_100, %dma_wait3A_101] : memref<16384x128xf32, #tpu.memory_space<hbm>> -> memref<128x128xf32, #tpu.memory_space<hbm>>
      %dma_wait3A_103 = arith.constant 0 : i32
      %dma_wait3A_104 = arith.constant 0 : i32
      %dma_wait3A_105 = tpu.memref_slice %arg2[%dma_wait3A_103, %dma_wait3A_104] : memref<16384x128xf32, #tpu.memory_space<hbm>> -> memref<128x128xf32, #tpu.memory_space<hbm>>
      tpu.wait_dma2 semaphore(%arg16 : memref<!tpu.dma_semaphore, #tpu.memory_space<semaphore_mem>>) src(%dma_wait3A_105 : memref<128x128xf32, #tpu.memory_space<hbm>>) dst(%arg13 : memref<128x128xf32, #tpu.memory_space<vmem>>)
      %lt3A = arith.constant 1 : i32
      %lt3A_106 = arith.cmpi slt, %add3A_35, %lt3A : i32
      %convert_element_type3A_107 = arith.extui %lt3A_106 : i1 to i32
      %cond3A_108 = arith.constant 0 : i32
      %cond3A_109 = arith.cmpi ne, %convert_element_type3A_107, %cond3A_108 : i32
      scf.if %cond3A_109 {
        %dma_wait3A_124 = arith.constant 0 : i32
        %dma_wait3A_125 = tpu.memref_slice %arg6[%mul3A_2, %dma_wait3A_124] : memref<16384x128xf32, #tpu.memory_space<hbm>> -> memref<128x128xf32, #tpu.memory_space<hbm>>
        %dma_wait3A_126 = arith.constant 0 : i32
        %dma_wait3A_127 = tpu.memref_slice %arg6[%mul3A_2, %dma_wait3A_126] : memref<16384x128xf32, #tpu.memory_space<hbm>> -> memref<128x128xf32, #tpu.memory_space<hbm>>
        tpu.wait_dma2 semaphore(%arg17 : memref<!tpu.dma_semaphore, #tpu.memory_space<semaphore_mem>>) src(%arg12 : memref<128x128xf32, #tpu.memory_space<vmem>>) dst(%dma_wait3A_127 : memref<128x128xf32, #tpu.memory_space<hbm>>)
        %mul3A_128 = arith.constant 2 : i32
        %mul3A_129 = arith.muli %mul3A_128, %add3A_35 : i32
        %add3A_130 = arith.constant 2 : i32
        %add3A_131 = arith.addi %mul3A_129, %add3A_130 : i32
        %mul3A_132 = arith.constant 128 : i32
        %mul3A_133 = arith.muli %add3A_131, %mul3A_132 : i32
        %multiple_of3A_134 = tpu.assume_multiple %mul3A_133, 128 : i32
        %dma_start3A_135 = tpu.memref_slice %arg7[%multiple_of3A_134] : memref<512xi32, #tpu.memory_space<vmem>> -> memref<128xi32, #tpu.memory_space<vmem>>
        %dma_start3A_136 = arith.constant 0 : i32
        %dma_start3A_137 = arith.constant 0 : i32
        %dma_start3A_138 = tpu.memref_slice %arg4[%dma_start3A_136, %dma_start3A_137] : memref<100000x128xf32, #tpu.memory_space<hbm>> -> memref<100000x128xf32, #tpu.memory_space<hbm>>
        tpu.enqueue_indirect_dma source(%dma_start3A_138 : memref<100000x128xf32, #tpu.memory_space<hbm>>) target(%arg8 : memref<128x128xf32, #tpu.memory_space<vmem>>) offsets(%dma_start3A_135 : memref<128xi32, #tpu.memory_space<vmem>>) semaphore(%arg15 : memref<!tpu.dma_semaphore, #tpu.memory_space<semaphore_mem>>)
        %dma_start3A_139 = tpu.memref_slice %arg7[%multiple_of3A_134] : memref<512xi32, #tpu.memory_space<vmem>> -> memref<128xi32, #tpu.memory_space<vmem>>
        %dma_start3A_140 = arith.constant 0 : i32
        %dma_start3A_141 = arith.constant 0 : i32
        %dma_start3A_142 = tpu.memref_slice %arg5[%dma_start3A_140, %dma_start3A_141] : memref<100000x128xf32, #tpu.memory_space<hbm>> -> memref<100000x128xf32, #tpu.memory_space<hbm>>
        tpu.enqueue_indirect_dma source(%dma_start3A_142 : memref<100000x128xf32, #tpu.memory_space<hbm>>) target(%arg10 : memref<128x128xf32, #tpu.memory_space<vmem>>) offsets(%dma_start3A_139 : memref<128xi32, #tpu.memory_space<vmem>>) semaphore(%arg15 : memref<!tpu.dma_semaphore, #tpu.memory_space<semaphore_mem>>)
        %mul3A_143 = arith.constant 128 : i32
        %mul3A_144 = arith.muli %add3A_131, %mul3A_143 : i32
        %add3A_145 = arith.addi %mul3A_2, %mul3A_144 : i32
        %dma_start3A_146 = arith.constant 0 : i32
        %dma_start3A_147 = tpu.memref_slice %arg2[%add3A_145, %dma_start3A_146] : memref<16384x128xf32, #tpu.memory_space<hbm>> -> memref<128x128xf32, #tpu.memory_space<hbm>>
        %dma_start3A_148 = arith.constant 0 : i32
        %dma_start3A_149 = tpu.memref_slice %arg2[%add3A_145, %dma_start3A_148] : memref<16384x128xf32, #tpu.memory_space<hbm>> -> memref<128x128xf32, #tpu.memory_space<hbm>>
        tpu.enqueue_dma source(%dma_start3A_149 : memref<128x128xf32, #tpu.memory_space<hbm>>) target(%arg12 : memref<128x128xf32, #tpu.memory_space<vmem>>) target_semaphore(%arg15 : memref<!tpu.dma_semaphore, #tpu.memory_space<semaphore_mem>>)
      } else {
      }
      %parallel_loop3A_110 = arith.constant 0 : i32
      %parallel_loop3A_111 = arith.constant 128 : i32
      %parallel_loop3A_112 = arith.constant 1 : i32
      scf.for %parallel_loop3A_124 = %parallel_loop3A_110 to %parallel_loop3A_111 step %parallel_loop3A_112  : i32 {
        %parallel_loop3A_125 = arith.index_cast %parallel_loop3A_124 : i32 to index
        %parallel_loop3A_126 = arith.constant 0 : index
        %parallel_loop3A_127 = tpu.vector_load %arg9[%parallel_loop3A_125, %parallel_loop3A_126] {strides = array<i32>} : memref<128x128xf32, #tpu.memory_space<vmem>>, vector<1x16xf32>,
        %parallel_loop3A_128 = vector.shape_cast %parallel_loop3A_127 : vector<1x16xf32> to vector<1x16xf32>
        %parallel_loop3A_129 = arith.index_cast %parallel_loop3A_124 : i32 to index
        %parallel_loop3A_130 = arith.constant 0 : index
        %parallel_loop3A_131 = tpu.vector_load %arg13[%parallel_loop3A_129, %parallel_loop3A_130] {strides = array<i32>} : memref<128x128xf32, #tpu.memory_space<vmem>>, vector<1x16xf32>,
        %parallel_loop3A_132 = vector.shape_cast %parallel_loop3A_131 : vector<1x16xf32> to vector<1x16xf32>
        %parallel_loop3A_133 = arith.mulf %parallel_loop3A_128, %parallel_loop3A_132 : vector<1x16xf32>
        %parallel_loop3A_134 = arith.index_cast %parallel_loop3A_124 : i32 to index
        %parallel_loop3A_135 = arith.constant 0 : index
        %parallel_loop3A_136 = tpu.vector_load %arg11[%parallel_loop3A_134, %parallel_loop3A_135] {strides = array<i32>} : memref<128x128xf32, #tpu.memory_space<vmem>>, vector<1x16xf32>,
        %parallel_loop3A_137 = vector.shape_cast %parallel_loop3A_136 : vector<1x16xf32> to vector<1x16xf32>
        %parallel_loop3A_138 = arith.addf %parallel_loop3A_133, %parallel_loop3A_137 : vector<1x16xf32>
        %parallel_loop3A_139 = arith.index_cast %parallel_loop3A_124 : i32 to index
        %parallel_loop3A_140 = arith.constant 0 : index
        %parallel_loop3A_141 = tpu.vector_load %arg13[%parallel_loop3A_139, %parallel_loop3A_140] {strides = array<i32>} : memref<128x128xf32, #tpu.memory_space<vmem>>, vector<1x16xf32>,
        %parallel_loop3A_142 = vector.shape_cast %parallel_loop3A_141 : vector<1x16xf32> to vector<1x16xf32>
        %parallel_loop3A_143 = vector.shape_cast %parallel_loop3A_138 : vector<1x16xf32> to vector<1x16xf32>
        tpu.vector_store %arg13[%parallel_loop3A_139, %parallel_loop3A_140], %parallel_loop3A_143 {strides = array<i32>} : memref<128x128xf32, #tpu.memory_space<vmem>>, vector<1x16xf32>,
        %parallel_loop3A_144 = arith.index_cast %parallel_loop3A_124 : i32 to index
        %parallel_loop3A_145 = arith.constant 16 : index
        %parallel_loop3A_146 = tpu.vector_load %arg9[%parallel_loop3A_144, %parallel_loop3A_145] {strides = array<i32>} : memref<128x128xf32, #tpu.memory_space<vmem>>, vector<1x16xf32>,
        %parallel_loop3A_147 = vector.shape_cast %parallel_loop3A_146 : vector<1x16xf32> to vector<1x16xf32>
        %parallel_loop3A_148 = arith.index_cast %parallel_loop3A_124 : i32 to index
        %parallel_loop3A_149 = arith.constant 16 : index
        %parallel_loop3A_150 = tpu.vector_load %arg13[%parallel_loop3A_148, %parallel_loop3A_149] {strides = array<i32>} : memref<128x128xf32, #tpu.memory_space<vmem>>, vector<1x16xf32>,
        %parallel_loop3A_151 = vector.shape_cast %parallel_loop3A_150 : vector<1x16xf32> to vector<1x16xf32>
        %parallel_loop3A_152 = arith.mulf %parallel_loop3A_147, %parallel_loop3A_151 : vector<1x16xf32>
        %parallel_loop3A_153 = arith.index_cast %parallel_loop3A_124 : i32 to index
        %parallel_loop3A_154 = arith.constant 16 : index
        %parallel_loop3A_155 = tpu.vector_load %arg11[%parallel_loop3A_153, %parallel_loop3A_154] {strides = array<i32>} : memref<128x128xf32, #tpu.memory_space<vmem>>, vector<1x16xf32>,
        %parallel_loop3A_156 = vector.shape_cast %parallel_loop3A_155 : vector<1x16xf32> to vector<1x16xf32>
        %parallel_loop3A_157 = arith.addf %parallel_loop3A_152, %parallel_loop3A_156 : vector<1x16xf32>
        %parallel_loop3A_158 = arith.index_cast %parallel_loop3A_124 : i32 to index
        %parallel_loop3A_159 = arith.constant 16 : index
        %parallel_loop3A_160 = tpu.vector_load %arg13[%parallel_loop3A_158, %parallel_loop3A_159] {strides = array<i32>} : memref<128x128xf32, #tpu.memory_space<vmem>>, vector<1x16xf32>,
        %parallel_loop3A_161 = vector.shape_cast %parallel_loop3A_160 : vector<1x16xf32> to vector<1x16xf32>
        %parallel_loop3A_162 = vector.shape_cast %parallel_loop3A_157 : vector<1x16xf32> to vector<1x16xf32>
        tpu.vector_store %arg13[%parallel_loop3A_158, %parallel_loop3A_159], %parallel_loop3A_162 {strides = array<i32>} : memref<128x128xf32, #tpu.memory_space<vmem>>, vector<1x16xf32>,
        %parallel_loop3A_163 = arith.index_cast %parallel_loop3A_124 : i32 to index
        %parallel_loop3A_164 = arith.constant 32 : index
        %parallel_loop3A_165 = tpu.vector_load %arg9[%parallel_loop3A_163, %parallel_loop3A_164] {strides = array<i32>} : memref<128x128xf32, #tpu.memory_space<vmem>>, vector<1x16xf32>,
        %parallel_loop3A_166 = vector.shape_cast %parallel_loop3A_165 : vector<1x16xf32> to vector<1x16xf32>
        %parallel_loop3A_167 = arith.index_cast %parallel_loop3A_124 : i32 to index
        %parallel_loop3A_168 = arith.constant 32 : index
        %parallel_loop3A_169 = tpu.vector_load %arg13[%parallel_loop3A_167, %parallel_loop3A_168] {strides = array<i32>} : memref<128x128xf32, #tpu.memory_space<vmem>>, vector<1x16xf32>,
        %parallel_loop3A_170 = vector.shape_cast %parallel_loop3A_169 : vector<1x16xf32> to vector<1x16xf32>
        %parallel_loop3A_171 = arith.mulf %parallel_loop3A_166, %parallel_loop3A_170 : vector<1x16xf32>
        %parallel_loop3A_172 = arith.index_cast %parallel_loop3A_124 : i32 to index
        %parallel_loop3A_173 = arith.constant 32 : index
        %parallel_loop3A_174 = tpu.vector_load %arg11[%parallel_loop3A_172, %parallel_loop3A_173] {strides = array<i32>} : memref<128x128xf32, #tpu.memory_space<vmem>>, vector<1x16xf32>,
        %parallel_loop3A_175 = vector.shape_cast %parallel_loop3A_174 : vector<1x16xf32> to vector<1x16xf32>
        %parallel_loop3A_176 = arith.addf %parallel_loop3A_171, %parallel_loop3A_175 : vector<1x16xf32>
        %parallel_loop3A_177 = arith.index_cast %parallel_loop3A_124 : i32 to index
        %parallel_loop3A_178 = arith.constant 32 : index
        %parallel_loop3A_179 = tpu.vector_load %arg13[%parallel_loop3A_177, %parallel_loop3A_178] {strides = array<i32>} : memref<128x128xf32, #tpu.memory_space<vmem>>, vector<1x16xf32>,
        %parallel_loop3A_180 = vector.shape_cast %parallel_loop3A_179 : vector<1x16xf32> to vector<1x16xf32>
        %parallel_loop3A_181 = vector.shape_cast %parallel_loop3A_176 : vector<1x16xf32> to vector<1x16xf32>
        tpu.vector_store %arg13[%parallel_loop3A_177, %parallel_loop3A_178], %parallel_loop3A_181 {strides = array<i32>} : memref<128x128xf32, #tpu.memory_space<vmem>>, vector<1x16xf32>,
        %parallel_loop3A_182 = arith.index_cast %parallel_loop3A_124 : i32 to index
        %parallel_loop3A_183 = arith.constant 48 : index
        %parallel_loop3A_184 = tpu.vector_load %arg9[%parallel_loop3A_182, %parallel_loop3A_183] {strides = array<i32>} : memref<128x128xf32, #tpu.memory_space<vmem>>, vector<1x16xf32>,
        %parallel_loop3A_185 = vector.shape_cast %parallel_loop3A_184 : vector<1x16xf32> to vector<1x16xf32>
        %parallel_loop3A_186 = arith.index_cast %parallel_loop3A_124 : i32 to index
        %parallel_loop3A_187 = arith.constant 48 : index
        %parallel_loop3A_188 = tpu.vector_load %arg13[%parallel_loop3A_186, %parallel_loop3A_187] {strides = array<i32>} : memref<128x128xf32, #tpu.memory_space<vmem>>, vector<1x16xf32>,
        %parallel_loop3A_189 = vector.shape_cast %parallel_loop3A_188 : vector<1x16xf32> to vector<1x16xf32>
        %parallel_loop3A_190 = arith.mulf %parallel_loop3A_185, %parallel_loop3A_189 : vector<1x16xf32>
        %parallel_loop3A_191 = arith.index_cast %parallel_loop3A_124 : i32 to index
        %parallel_loop3A_192 = arith.constant 48 : index
        %parallel_loop3A_193 = tpu.vector_load %arg11[%parallel_loop3A_191, %parallel_loop3A_192] {strides = array<i32>} : memref<128x128xf32, #tpu.memory_space<vmem>>, vector<1x16xf32>,
        %parallel_loop3A_194 = vector.shape_cast %parallel_loop3A_193 : vector<1x16xf32> to vector<1x16xf32>
        %parallel_loop3A_195 = arith.addf %parallel_loop3A_190, %parallel_loop3A_194 : vector<1x16xf32>
        %parallel_loop3A_196 = arith.index_cast %parallel_loop3A_124 : i32 to index
        %parallel_loop3A_197 = arith.constant 48 : index
        %parallel_loop3A_198 = tpu.vector_load %arg13[%parallel_loop3A_196, %parallel_loop3A_197] {strides = array<i32>} : memref<128x128xf32, #tpu.memory_space<vmem>>, vector<1x16xf32>,
        %parallel_loop3A_199 = vector.shape_cast %parallel_loop3A_198 : vector<1x16xf32> to vector<1x16xf32>
        %parallel_loop3A_200 = vector.shape_cast %parallel_loop3A_195 : vector<1x16xf32> to vector<1x16xf32>
        tpu.vector_store %arg13[%parallel_loop3A_196, %parallel_loop3A_197], %parallel_loop3A_200 {strides = array<i32>} : memref<128x128xf32, #tpu.memory_space<vmem>>, vector<1x16xf32>,
        %parallel_loop3A_201 = arith.index_cast %parallel_loop3A_124 : i32 to index
        %parallel_loop3A_202 = arith.constant 64 : index
        %parallel_loop3A_203 = tpu.vector_load %arg9[%parallel_loop3A_201, %parallel_loop3A_202] {strides = array<i32>} : memref<128x128xf32, #tpu.memory_space<vmem>>, vector<1x16xf32>,
        %parallel_loop3A_204 = vector.shape_cast %parallel_loop3A_203 : vector<1x16xf32> to vector<1x16xf32>
        %parallel_loop3A_205 = arith.index_cast %parallel_loop3A_124 : i32 to index
        %parallel_loop3A_206 = arith.constant 64 : index
        %parallel_loop3A_207 = tpu.vector_load %arg13[%parallel_loop3A_205, %parallel_loop3A_206] {strides = array<i32>} : memref<128x128xf32, #tpu.memory_space<vmem>>, vector<1x16xf32>,
        %parallel_loop3A_208 = vector.shape_cast %parallel_loop3A_207 : vector<1x16xf32> to vector<1x16xf32>
        %parallel_loop3A_209 = arith.mulf %parallel_loop3A_204, %parallel_loop3A_208 : vector<1x16xf32>
        %parallel_loop3A_210 = arith.index_cast %parallel_loop3A_124 : i32 to index
        %parallel_loop3A_211 = arith.constant 64 : index
        %parallel_loop3A_212 = tpu.vector_load %arg11[%parallel_loop3A_210, %parallel_loop3A_211] {strides = array<i32>} : memref<128x128xf32, #tpu.memory_space<vmem>>, vector<1x16xf32>,
        %parallel_loop3A_213 = vector.shape_cast %parallel_loop3A_212 : vector<1x16xf32> to vector<1x16xf32>
        %parallel_loop3A_214 = arith.addf %parallel_loop3A_209, %parallel_loop3A_213 : vector<1x16xf32>
        %parallel_loop3A_215 = arith.index_cast %parallel_loop3A_124 : i32 to index
        %parallel_loop3A_216 = arith.constant 64 : index
        %parallel_loop3A_217 = tpu.vector_load %arg13[%parallel_loop3A_215, %parallel_loop3A_216] {strides = array<i32>} : memref<128x128xf32, #tpu.memory_space<vmem>>, vector<1x16xf32>,
        %parallel_loop3A_218 = vector.shape_cast %parallel_loop3A_217 : vector<1x16xf32> to vector<1x16xf32>
        %parallel_loop3A_219 = vector.shape_cast %parallel_loop3A_214 : vector<1x16xf32> to vector<1x16xf32>
        tpu.vector_store %arg13[%parallel_loop3A_215, %parallel_loop3A_216], %parallel_loop3A_219 {strides = array<i32>} : memref<128x128xf32, #tpu.memory_space<vmem>>, vector<1x16xf32>,
        %parallel_loop3A_220 = arith.index_cast %parallel_loop3A_124 : i32 to index
        %parallel_loop3A_221 = arith.constant 80 : index
        %parallel_loop3A_222 = tpu.vector_load %arg9[%parallel_loop3A_220, %parallel_loop3A_221] {strides = array<i32>} : memref<128x128xf32, #tpu.memory_space<vmem>>, vector<1x16xf32>,
        %parallel_loop3A_223 = vector.shape_cast %parallel_loop3A_222 : vector<1x16xf32> to vector<1x16xf32>
        %parallel_loop3A_224 = arith.index_cast %parallel_loop3A_124 : i32 to index
        %parallel_loop3A_225 = arith.constant 80 : index
        %parallel_loop3A_226 = tpu.vector_load %arg13[%parallel_loop3A_224, %parallel_loop3A_225] {strides = array<i32>} : memref<128x128xf32, #tpu.memory_space<vmem>>, vector<1x16xf32>,
        %parallel_loop3A_227 = vector.shape_cast %parallel_loop3A_226 : vector<1x16xf32> to vector<1x16xf32>
        %parallel_loop3A_228 = arith.mulf %parallel_loop3A_223, %parallel_loop3A_227 : vector<1x16xf32>
        %parallel_loop3A_229 = arith.index_cast %parallel_loop3A_124 : i32 to index
        %parallel_loop3A_230 = arith.constant 80 : index
        %parallel_loop3A_231 = tpu.vector_load %arg11[%parallel_loop3A_229, %parallel_loop3A_230] {strides = array<i32>} : memref<128x128xf32, #tpu.memory_space<vmem>>, vector<1x16xf32>,
        %parallel_loop3A_232 = vector.shape_cast %parallel_loop3A_231 : vector<1x16xf32> to vector<1x16xf32>
        %parallel_loop3A_233 = arith.addf %parallel_loop3A_228, %parallel_loop3A_232 : vector<1x16xf32>
        %parallel_loop3A_234 = arith.index_cast %parallel_loop3A_124 : i32 to index
        %parallel_loop3A_235 = arith.constant 80 : index
        %parallel_loop3A_236 = tpu.vector_load %arg13[%parallel_loop3A_234, %parallel_loop3A_235] {strides = array<i32>} : memref<128x128xf32, #tpu.memory_space<vmem>>, vector<1x16xf32>,
        %parallel_loop3A_237 = vector.shape_cast %parallel_loop3A_236 : vector<1x16xf32> to vector<1x16xf32>
        %parallel_loop3A_238 = vector.shape_cast %parallel_loop3A_233 : vector<1x16xf32> to vector<1x16xf32>
        tpu.vector_store %arg13[%parallel_loop3A_234, %parallel_loop3A_235], %parallel_loop3A_238 {strides = array<i32>} : memref<128x128xf32, #tpu.memory_space<vmem>>, vector<1x16xf32>,
        %parallel_loop3A_239 = arith.index_cast %parallel_loop3A_124 : i32 to index
        %parallel_loop3A_240 = arith.constant 96 : index
        %parallel_loop3A_241 = tpu.vector_load %arg9[%parallel_loop3A_239, %parallel_loop3A_240] {strides = array<i32>} : memref<128x128xf32, #tpu.memory_space<vmem>>, vector<1x16xf32>,
        %parallel_loop3A_242 = vector.shape_cast %parallel_loop3A_241 : vector<1x16xf32> to vector<1x16xf32>
        %parallel_loop3A_243 = arith.index_cast %parallel_loop3A_124 : i32 to index
        %parallel_loop3A_244 = arith.constant 96 : index
        %parallel_loop3A_245 = tpu.vector_load %arg13[%parallel_loop3A_243, %parallel_loop3A_244] {strides = array<i32>} : memref<128x128xf32, #tpu.memory_space<vmem>>, vector<1x16xf32>,
        %parallel_loop3A_246 = vector.shape_cast %parallel_loop3A_245 : vector<1x16xf32> to vector<1x16xf32>
        %parallel_loop3A_247 = arith.mulf %parallel_loop3A_242, %parallel_loop3A_246 : vector<1x16xf32>
        %parallel_loop3A_248 = arith.index_cast %parallel_loop3A_124 : i32 to index
        %parallel_loop3A_249 = arith.constant 96 : index
        %parallel_loop3A_250 = tpu.vector_load %arg11[%parallel_loop3A_248, %parallel_loop3A_249] {strides = array<i32>} : memref<128x128xf32, #tpu.memory_space<vmem>>, vector<1x16xf32>,
        %parallel_loop3A_251 = vector.shape_cast %parallel_loop3A_250 : vector<1x16xf32> to vector<1x16xf32>
        %parallel_loop3A_252 = arith.addf %parallel_loop3A_247, %parallel_loop3A_251 : vector<1x16xf32>
        %parallel_loop3A_253 = arith.index_cast %parallel_loop3A_124 : i32 to index
        %parallel_loop3A_254 = arith.constant 96 : index
        %parallel_loop3A_255 = tpu.vector_load %arg13[%parallel_loop3A_253, %parallel_loop3A_254] {strides = array<i32>} : memref<128x128xf32, #tpu.memory_space<vmem>>, vector<1x16xf32>,
        %parallel_loop3A_256 = vector.shape_cast %parallel_loop3A_255 : vector<1x16xf32> to vector<1x16xf32>
        %parallel_loop3A_257 = vector.shape_cast %parallel_loop3A_252 : vector<1x16xf32> to vector<1x16xf32>
        tpu.vector_store %arg13[%parallel_loop3A_253, %parallel_loop3A_254], %parallel_loop3A_257 {strides = array<i32>} : memref<128x128xf32, #tpu.memory_space<vmem>>, vector<1x16xf32>,
        %parallel_loop3A_258 = arith.index_cast %parallel_loop3A_124 : i32 to index
        %parallel_loop3A_259 = arith.constant 112 : index
        %parallel_loop3A_260 = tpu.vector_load %arg9[%parallel_loop3A_258, %parallel_loop3A_259] {strides = array<i32>} : memref<128x128xf32, #tpu.memory_space<vmem>>, vector<1x16xf32>,
        %parallel_loop3A_261 = vector.shape_cast %parallel_loop3A_260 : vector<1x16xf32> to vector<1x16xf32>
        %parallel_loop3A_262 = arith.index_cast %parallel_loop3A_124 : i32 to index
        %parallel_loop3A_263 = arith.constant 112 : index
        %parallel_loop3A_264 = tpu.vector_load %arg13[%parallel_loop3A_262, %parallel_loop3A_263] {strides = array<i32>} : memref<128x128xf32, #tpu.memory_space<vmem>>, vector<1x16xf32>,
        %parallel_loop3A_265 = vector.shape_cast %parallel_loop3A_264 : vector<1x16xf32> to vector<1x16xf32>
        %parallel_loop3A_266 = arith.mulf %parallel_loop3A_261, %parallel_loop3A_265 : vector<1x16xf32>
        %parallel_loop3A_267 = arith.index_cast %parallel_loop3A_124 : i32 to index
        %parallel_loop3A_268 = arith.constant 112 : index
        %parallel_loop3A_269 = tpu.vector_load %arg11[%parallel_loop3A_267, %parallel_loop3A_268] {strides = array<i32>} : memref<128x128xf32, #tpu.memory_space<vmem>>, vector<1x16xf32>,
        %parallel_loop3A_270 = vector.shape_cast %parallel_loop3A_269 : vector<1x16xf32> to vector<1x16xf32>
        %parallel_loop3A_271 = arith.addf %parallel_loop3A_266, %parallel_loop3A_270 : vector<1x16xf32>
        %parallel_loop3A_272 = arith.index_cast %parallel_loop3A_124 : i32 to index
        %parallel_loop3A_273 = arith.constant 112 : index
        %parallel_loop3A_274 = tpu.vector_load %arg13[%parallel_loop3A_272, %parallel_loop3A_273] {strides = array<i32>} : memref<128x128xf32, #tpu.memory_space<vmem>>, vector<1x16xf32>,
        %parallel_loop3A_275 = vector.shape_cast %parallel_loop3A_274 : vector<1x16xf32> to vector<1x16xf32>
        %parallel_loop3A_276 = vector.shape_cast %parallel_loop3A_271 : vector<1x16xf32> to vector<1x16xf32>
        tpu.vector_store %arg13[%parallel_loop3A_272, %parallel_loop3A_273], %parallel_loop3A_276 {strides = array<i32>} : memref<128x128xf32, #tpu.memory_space<vmem>>, vector<1x16xf32>,
      } {sc.loop_unroll_factor = 1 : i64, sc.parallel_access}
      %mul3A_113 = arith.constant 2 : i32
      %mul3A_114 = arith.muli %mul3A_113, %add3A_35 : i32
      %add3A_115 = arith.constant 1 : i32
      %add3A_116 = arith.addi %mul3A_114, %add3A_115 : i32
      %mul3A_117 = arith.constant 128 : i32
      %mul3A_118 = arith.muli %add3A_116, %mul3A_117 : i32
      %add3A_119 = arith.addi %mul3A_2, %mul3A_118 : i32
      %dma_start3A_120 = arith.constant 0 : i32
      %dma_start3A_121 = tpu.memref_slice %arg6[%add3A_119, %dma_start3A_120] : memref<16384x128xf32, #tpu.memory_space<hbm>> -> memref<128x128xf32, #tpu.memory_space<hbm>>
      %dma_start3A_122 = arith.constant 0 : i32
      %dma_start3A_123 = tpu.memref_slice %arg6[%add3A_119, %dma_start3A_122] : memref<16384x128xf32, #tpu.memory_space<hbm>> -> memref<128x128xf32, #tpu.memory_space<hbm>>
      tpu.enqueue_dma source(%arg13 : memref<128x128xf32, #tpu.memory_space<vmem>>) target(%dma_start3A_123 : memref<128x128xf32, #tpu.memory_space<hbm>>) target_semaphore(%arg18 : memref<!tpu.dma_semaphore, #tpu.memory_space<semaphore_mem>>)
    }
    %scan3A_22 = arith.constant 2 : i32
    %dma_wait3A_23 = arith.constant 0 : i32
    %dma_wait3A_24 = tpu.memref_slice %arg6[%mul3A_2, %dma_wait3A_23] : memref<16384x128xf32, #tpu.memory_space<hbm>> -> memref<128x128xf32, #tpu.memory_space<hbm>>
    %dma_wait3A_25 = arith.constant 0 : i32
    %dma_wait3A_26 = tpu.memref_slice %arg6[%mul3A_2, %dma_wait3A_25] : memref<16384x128xf32, #tpu.memory_space<hbm>> -> memref<128x128xf32, #tpu.memory_space<hbm>>
    tpu.wait_dma2 semaphore(%arg17 : memref<!tpu.dma_semaphore, #tpu.memory_space<semaphore_mem>>) src(%arg12 : memref<128x128xf32, #tpu.memory_space<vmem>>) dst(%dma_wait3A_26 : memref<128x128xf32, #tpu.memory_space<hbm>>)
    %dma_wait3A_27 = arith.constant 0 : i32
    %dma_wait3A_28 = tpu.memref_slice %arg6[%mul3A_2, %dma_wait3A_27] : memref<16384x128xf32, #tpu.memory_space<hbm>> -> memref<128x128xf32, #tpu.memory_space<hbm>>
    %dma_wait3A_29 = arith.constant 0 : i32
    %dma_wait3A_30 = tpu.memref_slice %arg6[%mul3A_2, %dma_wait3A_29] : memref<16384x128xf32, #tpu.memory_space<hbm>> -> memref<128x128xf32, #tpu.memory_space<hbm>>
    tpu.wait_dma2 semaphore(%arg18 : memref<!tpu.dma_semaphore, #tpu.memory_space<semaphore_mem>>) src(%arg13 : memref<128x128xf32, #tpu.memory_space<vmem>>) dst(%dma_wait3A_30 : memref<128x128xf32, #tpu.memory_space<hbm>>)
    return
  }
}

</mosaic_0001>

<sc_bundles>
// kernel: kernel.3.cloned.1.call-start
scs
__scs_entry_jumppad:
0x0: {  	(pc) =	sbr.rel $0x88, $3  }
0x1: {  	(tag) =	ssettag $0x0;
	lr =	simm.s32 $0x1  }
0x2: {  	[smem:$0x3F9D] =	sst lr;
	_ =	strace $0xD0000000  }
0x3: {  	_ = 	snop  }
0x4: {  	_ = 	snop  }
0x5: {  	_ = 	snop  }
0x6: {  	_ = 	snop  }
0x7: {  	_ = 	snop  }
__scs_overlays_trampoline_lowered:
0x8: {  	[smem:$0x3FAC] =	sst s0  }
0x9: {  	[smem:$0x3FAD] =	sst s1  }
0xa: {  	[smem:$0x3FAE] =	sst s2  }
0xb: {  	[smem:$0x3FAF] =	sst s3  }
0xc: {  	[smem:$0x3FB0] =	sst s4  }
0xd: {  	[smem:$0x3FB1] =	sst s5  }
0xe: {  	[smem:$0x3FB2] =	sst s6  }
0xf: {  	[smem:$0x3FB3] =	sst s7  }
0x10: {  	[smem:$0x3FB4] =	sst s8  }
0x11: {  	[smem:$0x3FB5] =	sst s9;
	s0 =	simm.s32 @!p0 $0x0  }
0x12: {  	s1 =	sld [smem:$0x3F9B];
	s0 =	simm.s32 @p0 $0x1  }
0x13: {  	[smem:$0x3FB6] =	sst s0;
	s0 =	simm.s32 @!p1 $0x0  }
0x14: {  	s2 =	sld [smem:$0x3F9A];
	s0 =	simm.s32 @p1 $0x1  }
0x15: {  	[smem:$0x3FB7] =	sst s0;
	s0 =	simm.s32 @!p2 $0x0  }
0x16: {  	s3 =	sld [smem:$0x3FDB];
	s0 =	simm.s32 @p2 $0x1  }
0x17: {  	s4 =	simm.s32 $0x1BF5;
	[smem:$0x3FB9] =	sst s0  }
0x18: {  	s0 =	sld [smem:$0x3F9C];
	_ =	swait.ge [sflag:s4], $0x0  }
0x19: {  	s7 =	sld [smem:$0x3F9D]  }
0x1a: {  	s8 =	sadd.s32 $0xFFFFE003, lr  }
0x1b: {  	s9 =	sadd.s32 $0xFFFFFEF7, lr;
	s5 =	simm.s32 $0xFFFFFFFF;
	p2 =	slt.u32 s8, $0xFFFFF086  }
0x1c: {  	p1 =	slt.u32 s9, $0xF7A;
	s5 =	simm.s32 @!p2 $0x0  }
0x1d: {  	s5 =	simm.s32 @p1 $0x1;
	p0 =	seq.s32 s7, s2  }
0x1e: {  	s7 =	smul.u32 @!p0 $0xF7A, s2;
	p2 =	seq.s32 @!p0 s5, $0x0  }
0x1f: {  	s9 =	smul.u32 $0xF7A, s1;
	s8 =	simm.s32 @!p0 $0x1BF5;
	p2 =	por !p2, p0  }
0x20: {  	[sflag:s8] =	ssyncset.s32 @!p0 $0xFFFFF086;
	s6 =	sadd.s32 @!p0 s3, s7;
	s7 =	simm.s32 @!p0 $0x108  }
0x21: {  	s3 =	sadd.s32 s3, s9;
	s6 =	sadd.s32 @!p0 $0x88, s6;
	s7 =	simm.s32 @p2 $0x1082  }
0x22: {  	[simem:s7], [sflag:s8] =	dma.local @!p0 [hbm:s6], $0xF7A  }
0x23: {  	s9 =	sor.u32 $0xD0000000, s2;
	s6 =	simm.s32 $0x108;
	_ =	swait.ge @!p0 [sflag:s8], $0x0  }
0x24: {  	s3 =	sadd.s32 $0x88, s3;
	s6 =	simm.s32 @!p1 $0x1082;
	[sflag:s4] =	ssyncset.s32 $0xFFFFF086  }
0x25: {  	[simem:s6], [sflag:s4] =	dma.local [hbm:s3], $0xF7A  }
0x26: {  	[smem:$0x3F9D] =	sst s1;
	(tag) =	ssettag s2;
	_ =	strace s9  }
0x27: {  	s1 =	sld [smem:$0x3FAD]  }
0x28: {  	s2 =	sld [smem:$0x3FAE]  }
0x29: {  	s4 =	sld [smem:$0x3FB0]  }
0x2a: {  	p0 =	seq.s32 s5, $0x0;
	s5 =	sld [smem:$0x3FB1]  }
0x2b: {  	s6 =	sld [smem:$0x3FB2]  }
0x2c: {  	s7 =	sld [smem:$0x3FB3]  }
0x2d: {  	s3 =	simm.s32 $0x108;
	s8 =	sld [smem:$0x3FB4]  }
0x2e: {  	s3 =	simm.s32 @!p0 $0x1082;
	s9 =	sld [smem:$0x3FB5]  }
0x2f: {  	lr =	sadd.s32 s0, s3;
	s0 =	sld [smem:$0x3FAC]  }
0x30: {  	s3 =	sld [smem:$0x3FAF]  }
0x31: {  	[smem:$0x3FB8] =	sst s10  }
0x32: {  	s10 =	sld [smem:$0x3FB6];
	_ =	sdelay $0x3  }
0x33: {  	p0 =	seq.s32 s10, $0x1;
	s10 =	sld [smem:$0x3FB8];
	_ =	sdelay $0x3  }
0x34: {  	[smem:$0x3FB8] =	sst s10  }
0x35: {  	s10 =	sld [smem:$0x3FB7];
	_ =	sdelay $0x3  }
0x36: {  	p1 =	seq.s32 s10, $0x1;
	s10 =	sld [smem:$0x3FB8];
	_ =	sdelay $0x3  }
0x37: {  	[smem:$0x3FB8] =	sst s10  }
0x38: {  	s10 =	sld [smem:$0x3FB9]  }
0x39: {  	_ = 	snop;
	(pc) =	sbr.ind lr, $3  }
0x3a: {  	_ = 	snop  }
0x3b: {  	_ = 	snop  }
0x3c: {  	p2 =	seq.s32 s10, $0x1;
	s10 =	sld [smem:$0x3FB8]  }
0x3d: {  	_ =	shalt  }
0x3e: {  	_ =	shalt  }
0x3f: {  	_ =	shalt  }
0x40: {  	_ =	shalt  }
0x41: {  	_ =	shalt  }
0x42: {  	_ =	shalt  }
0x43: {  	_ =	shalt  }
0x44: {  	_ =	shalt  }
0x45: {  	_ =	shalt  }
0x46: {  	_ =	shalt  }
0x47: {  	_ =	shalt  }
0x48: {  	_ =	shalt  }
0x49: {  	_ =	shalt  }
0x4a: {  	_ =	shalt  }
0x4b: {  	_ =	shalt  }
0x4c: {  	_ =	shalt  }
0x4d: {  	_ =	shalt  }
0x4e: {  	_ =	shalt  }
0x4f: {  	_ =	shalt  }
0x50: {  	_ =	shalt  }
0x51: {  	_ =	shalt  }
0x52: {  	_ =	shalt  }
0x53: {  	_ =	shalt  }
0x54: {  	_ =	shalt  }
0x55: {  	_ =	shalt  }
0x56: {  	_ =	shalt  }
0x57: {  	_ =	shalt  }
0x58: {  	_ =	shalt  }
0x59: {  	_ =	shalt  }
0x5a: {  	_ =	shalt  }
0x5b: {  	_ =	shalt  }
0x5c: {  	_ =	shalt  }
0x5d: {  	_ =	shalt  }
0x5e: {  	_ =	shalt  }
0x5f: {  	_ =	shalt  }
0x60: {  	_ =	shalt  }
0x61: {  	_ =	shalt  }
0x62: {  	_ =	shalt  }
0x63: {  	_ =	shalt  }
0x64: {  	_ =	shalt  }
0x65: {  	_ =	shalt  }
0x66: {  	_ =	shalt  }
0x67: {  	_ =	shalt  }
0x68: {  	_ =	shalt  }
0x69: {  	_ =	shalt  }
0x6a: {  	_ =	shalt  }
0x6b: {  	_ =	shalt  }
0x6c: {  	_ =	shalt  }
0x6d: {  	_ =	shalt  }
0x6e: {  	_ =	shalt  }
0x6f: {  	_ =	shalt  }
0x70: {  	_ =	shalt  }
0x71: {  	_ =	shalt  }
0x72: {  	_ =	shalt  }
0x73: {  	_ =	shalt  }
0x74: {  	_ =	shalt  }
0x75: {  	_ =	shalt  }
0x76: {  	_ =	shalt  }
0x77: {  	_ =	shalt  }
0x78: {  	_ =	shalt  }
0x79: {  	_ =	shalt  }
0x7a: {  	_ =	shalt  }
0x7b: {  	_ =	shalt  }
0x7c: {  	_ =	shalt  }
0x7d: {  	_ =	shalt  }
0x7e: {  	_ =	shalt  }
0x7f: {  	_ =	shalt  }
0x80: {  	_ =	shalt  }
0x81: {  	_ =	shalt  }
0x82: {  	_ =	shalt  }
0x83: {  	_ =	shalt  }
0x84: {  	_ =	shalt  }
0x85: {  	_ =	shalt  }
0x86: {  	_ =	shalt  }
0x87: {  	_ =	shalt  }
.Lfunc_end0:
.L_simem_size_0:
called_computation_lowered:
.L_overlay_start_0:
0x88: {  	s2 =	sld [smem:$0x3FD9]  }
0x89: {  	s3 =	sld [smem:$0x3FFE];
	_ =	sdelay $0x1  }
0x8a: {  	s1 =	srdreg.scid  }
0x8b: {  	s0 =	sand.u32 $0x1, s1  }
0x8c: {  	s18 =	sshll.u32 s0, $0xA;
	s2 =	sadd.s32 s3, s2  }
0x8d: {  	s2 =	sadd.s32 s2, s18  }
0x8e: {  	[smem:$0x3FC4] =	sst s2  }
0x8f: {  	_ = 	snop  }
0x90: {  	s2 =	sld [smem:$0x3FC9]  }
0x91: {  	s19 =	sld [smem:$0x3FC8]  }
0x92: {  	s4 =	sld [smem:$0x3FC7]  }
0x93: {  	s5 =	sld [smem:$0x3FC6]  }
0x94: {  	s6 =	sld [smem:$0x3FD0];
	(tm) =	ssettm $0x1  }
0x95: {  	s7 =	sld [smem:$0x3FFB];
	_ =	sdelay $0x3  }
0x96: {  	_ =	strace s7  }
0x97: {  	s7 =	sld [smem:$0x3FFC];
	_ =	sdelay $0x3  }
0x98: {  	_ =	strace s7  }
0x99: {  	s7 =	sld [smem:$0x3FFD];
	_ =	sdelay $0x3  }
0x9a: {  	_ =	strace s7  }
0x9b: {  	_ =	strace $0x8FFFFFFF  }
0x9c: {  	s20 =	sld [smem:$0x3FDB];
	_ =	sdelay $0x1  }
0x9d: {  	s8 =	simm.s32 $_scs_section_size  }
0x9e: {  	s9 =	simm.s32 $_size__tile_overlayer_lowered;
	s10 =	simm.s32 $_tile_overlayer_lowered  }
0x9f: {  	s23 =	simm.s32 $0x1BFF;
	s22 =	sshll.u32 s10, $0x1;
	s7 =	sadd.s32 s8, s20  }
0xa0: {  	s11 =	simm.s32 $0x0;
	s21 =	sshll.u32 s9, $0x1;
	s9 =	sadd.s32 s22, s7  }
0xa1: {  	[timem:s11], [sflag:s23] =	dma.local [hbm:s9], s21  }
0xa2: {  	_ =	swait.ge [sflag:s23], s21  }
0xa3: {  	s8 =	ssub.s32 $0x0, s21;
	[sflag:s23] =	ssyncset.done $0x0  }
0xa4: {  	[sflag:s23] =	ssyncadd.s32 s8;
	_ =	sdelay $0x1  }
0xa5: {  	s24 =	simm.s32 $0x1B8B  }
0xa6: {  	_ =	swait.ge [sflag:s24], $0x1  }
0xa7: {  	[sflag:s24] =	ssyncset.done $0x0  }
0xa8: {  	s25 =	simm.s32 $0x1B8E;
	[sflag:s24] =	ssyncadd.s32 $0xFFFFFFFF  }
0xa9: {  	s26 =	simm.s32 $execute0_lowered;
	[smem:$0x3FD2] =	sst s25  }
0xaa: {  	s8 =	sshll.u32 s26, $0x1;
	_ =	strace $0x80000046;
	[dreg:$0x1] =	wrdreg $0xFFFFFFFF  }
0xab: {  	s28 =	simm.s32 $_size_execute0_lowered;
	s7 =	sadd.s32 s7, s8;
	[dreg:$0x0] =	wrdreg $0x0  }
0xac: {  	s8 =	sshll.u32 s28, $0x1;
	[dreg:$0x2] =	wrdreg s7  }
0xad: {  	[dreg:$0x3] =	wrdreg s8  }
0xae: {  	[dreg:$0x4] =	wrdreg $0xC0  }
0xaf: {  	_ =	task [dreg:s11], $0x5FFFF  }
0xb0: {  	[dreg:$0x1] =	wrdreg $0xFFFFFFFF  }
0xb1: {  	[dreg:$0x0] =	wrdreg $0x60  }
0xb2: {  	[dreg:$0x2] =	wrdreg s2  }
0xb3: {  	[dreg:$0x3] =	wrdreg s19  }
0xb4: {  	[dreg:$0x4] =	wrdreg s4  }
0xb5: {  	[dreg:$0x5] =	wrdreg s5  }
0xb6: {  	[dreg:$0x6] =	wrdreg s6  }
0xb7: {  	[dreg:$0x7] =	wrdreg $0x9  }
0xb8: {  	_ =	task.clear_ibuf [dreg:s11], $0x8FFFF;
	_ =	strace $0x90000046  }
0xb9: {  	s29 =	simm.s32 $0x9;
	_ =	strace $0x80000048  }
0xba: {  	_ =	swait.ge [sflag:s29], $0x1  }
0xbb: {  	[sflag:s29] =	ssyncadd.s32 $0xFFFFFFFF  }
0xbc: {  	_ =	strace $0x90000048  }
0xbd: {  	_ =	sfence  }
0xbe: {  	s30 =	sld [smem:$0x0];
	_ =	sdelay $0x2  }
0xbf: {  	s31 =	sshll.u32 s1, $0xD;
	s1 =	sshrl.u32 s1, $0x2  }
0xc0: {  	s3 =	sand.u32 $0x4000, s31;
	s1 =	sadd.s32 s1, s30  }
0xc1: {  	s0 =	sor.u32 s3, s0;
	s1 =	sshll.u32 s1, $0x11  }
0xc2: {  	s0 =	sor.u32 s1, s0  }
0xc3: {  	s0 =	sadd.s32 $0x8F2B, s0  }
0xc4: {  	[sflag:s0] =	ssyncadd.remote.s32 $0x1  }
0xc5: {  	_ =	sfence.sel $0xFFFF  }
0xc6: {  	[dreg:$0x0] =	wrdreg $0xFFFFFFFF;
	(pc) =	sbr.abs _section_cstart, $3  }
0xc7: {  	[dreg:$0x1] =	wrdreg $0xFFFFFFFF  }
0xc8: {  	_ =	task.clear_ibuf [dreg:s11], $0x2FFFF;
	_ =	strace $0x9FFFFFFF  }
0xc9: {  	(tm) =	ssettm $0x7FFFFFFF  }
tec
execute0_lowered:
.L_overlay_start_1:
0x0: {  	(tag) =	ssettag $0x1  }
0x1: {  	s1 =	rddreg [dreg:$0x0]  }
0x2: {  	s9 =	rddreg [dreg:$0x1]  }
0x3: {  	s2 =	rddreg [dreg:$0x2]  }
0x4: {  	s3 =	rddreg [dreg:$0x3]  }
0x5: {  	s5 =	rddreg [dreg:$0x4]  }
0x6: {  	s0 =	rddreg [dreg:$0x5];
	s7 =	srdreg.scid  }
0x7: {  	s6 =	simm.s32 $0x0;
	s4 =	stileid.u32;
	s13 =	simm.s32 $0x1  }
0x8: {  	s14 =	simm.s32 $0x80;
	s15 =	simm.s32 $0x200;
	s16 =	simm.s32 $0x8200  }
0x9: {  	s17 =	simm.s32 $0x2;
	s18 =	simm.s32 $0x4200;
	s19 =	simm.s32 $0xC200  }
0xa: {  	s20 =	simm.s32 $0x14200;
	s21 =	simm.s32 $0x3;
	s22 =	simm.s32 $0x4  }
0xb: {  	s23 =	simm.s32 $0x5;
	s24 =	simm.s32 $0x0;
	s7 =	sand.u32 $0x1, s7  }
0xc: {  	[smem:$0x7FF] =	sst s6;
	s8 =	sshll.u32 s4, $0xA;
	s10 =	sshll.u32 s7, $0x9  }
0xd: {  	_ =	strace $0x80000047;
	s11 =	ssub.s32 $0x2, s7;
	s7 =	sor.u32 s10, s8  }
0xe: {  	s31 =	sshrl.u32 s11, $0x1;
	s10 =	sshll.u32 s7, $0x4;
	s12 =	sshrl.u32 s7, $0x3  }
0xf: {  	s11 =	ssub.s32 s11, s31;
	s8 =	sadd.s32 s1, s10;
	s9 =	sadd.s32 s9, s12  }
0x10: {  	s10 =	sadd.s32 s5, s10;
	s11 =	smax.u32 s11, $0x1;
	s12 =	simm.s32 $0x10200  }
.LBB2_1:
0x11: {  	[tilespmem:s12], [sflag:$0x2] =	stream.linear.gather [hbm4b:s8+s6], $0x4000, $0x38;
	[tilespmem:$0x18200] =	vst v63  }
0x12: {  	_ = 	snop  }
0x13: {  	[tilespmem:s6], [sflag:$0x1] =	stream.linear.gather [hbm4b:s9+s6], $0x200, $0x38;
	[tilespmem:$0x18200] =	vst v63  }
0x14: {  	_ =	swait.ge [sflag:s13], $0x200  }
0x15: {  	[sflag:s13] =	ssyncset.done $0x0  }
0x16: {  	[sflag:s13] =	ssyncadd.s32 $0xFFFFFE00  }
0x17: {  	[tilespmem:s15], [sflag:$0x2] =	stream.indirect.gather [hbm4b:s2+s14], $0x80, s6, s14, $0xb8;
	[tilespmem:$0x18200] =	vst v63  }
0x18: {  	p2 =	por $0x1, $0x1;
	p1 =	por $0x0, $0x0;
	s26 =	simm.s32 $0x0  }
0x19: {  	[tilespmem:s16], [sflag:$0x2] =	stream.indirect.gather [hbm4b:s3+s14], $0x80, s6, s14, $0xb8;
	[tilespmem:$0x18200] =	vst v63  }
.LBB2_2:
0x1a: {  	_ =	swait.ge [sflag:s17], $0x4000  }
0x1b: {  	[sflag:s17] =	ssyncset.done $0x0  }
0x1c: {  	[sflag:s17] =	ssyncadd.s32 $0xFFFFC000  }
0x1d: {  	_ =	swait.ge [sflag:s17], $0x4000  }
0x1e: {  	[sflag:s17] =	ssyncset.done $0x0  }
0x1f: {  	[sflag:s17] =	ssyncadd.s32 $0xFFFFC000  }
0x20: {  	_ =	swait.ge [sflag:s17], $0x4000  }
0x21: {  	[sflag:s17] =	ssyncset.done $0x0  }
0x22: {  	s25 =	simm.s32 @p1 $0x5;
	[sflag:s17] =	ssyncadd.s32 $0xFFFFC000  }
0x23: {  	_ =	swait.ge @p1 [sflag:s25], $0x4000  }
0x24: {  	s28 =	sshll.u32 s26, $0x8;
	[sflag:s25] =	ssyncset.done @p1 $0x0  }
0x25: {  	[sflag:s25] =	ssyncadd.s32 @p1 $0xFFFFC000;
	s25 =	sor.u32 $0x80, s28  }
0x26: {  	[tilespmem:s18], [sflag:$0x3] =	stream.indirect.gather [hbm4b:s2+s14], $0x80, s25, s14, $0xb8;
	[tilespmem:$0x18200] =	vst v63  }
0x27: {  	_ = 	snop  }
0x28: {  	[tilespmem:s19], [sflag:$0x3] =	stream.indirect.gather [hbm4b:s3+s14], $0x80, s25, s14, $0xb8;
	[tilespmem:$0x18200] =	vst v63  }
0x29: {  	s25 =	sor.u32 s7, s25  }
0x2a: {  	s25 =	sshll.u32 s25, $0x4  }
0x2b: {  	s30 =	simm.s32 $0x0;
	s29 =	sadd.s32 s1, s25  }
0x2c: {  	[tilespmem:s20], [sflag:$0x3] =	stream.linear.gather [hbm4b:s29+s30], $0x4000, $0x38;
	[tilespmem:$0x18200] =	vst v63  }
0x2d: {  	s29 =	simm.s32 $0x0  }
0x2e: {  	v0 =	vld [tilespmem:s29+$0x270]  }
0x2f: {  	v1 =	vld [tilespmem:s29+$0x10270]  }
0x30: {  	v2 =	vld [tilespmem:s29+$0x200]  }
0x31: {  	v3 =	vld [tilespmem:s29+$0x8270]  }
0x32: {  	v4 =	vld [tilespmem:s29+$0x10200]  }
0x33: {  	v5 =	vld [tilespmem:s29+$0x210]  }
0x34: {  	v6 =	vld [tilespmem:s29+$0x10210]  }
0x35: {  	v8 =	vld [tilespmem:s29+$0x10220]  }
0x36: {  	v9 =	vld [tilespmem:s29+$0x10230]  }
0x37: {  	v10 =	vld [tilespmem:s29+$0x240]  }
0x38: {  	v11 =	vld [tilespmem:s29+$0x10240]  }
0x39: {  	v12 =	vld [tilespmem:s29+$0x250]  }
0x3a: {  	v13 =	vld [tilespmem:s29+$0x10250]  }
0x3b: {  	v14 =	vld [tilespmem:s29+$0x260]  }
0x3c: {  	v15 =	vld [tilespmem:s29+$0x10260]  }
0x3d: {  	v16 =	vld [tilespmem:s29+$0x8200]  }
0x3e: {  	v17 =	vld [tilespmem:s29+$0x8210];
	v0 =	vmul.f32 v1, v0  }
0x3f: {  	v1 =	vld [tilespmem:s29+$0x220]  }
0x40: {  	v0 =	vadd.f32 v3, v0;
	v3 =	vld [tilespmem:s29+$0x230]  }
0x41: {  	v18 =	vld [tilespmem:s29+$0x8220]  }
0x42: {  	v7 =	vld [tilespmem:s29+$0x8230];
	v2 =	vmul.f32 v4, v2  }
0x43: {  	v19 =	vmul.f32 v6, v5;
	v4 =	vld [tilespmem:s29+$0x8240]  }
0x44: {  	v5 =	vld [tilespmem:s29+$0x8250];
	v16 =	vadd.f32 v16, v2;
	v20 =	vmul.f32 v8, v1  }
0x45: {  	s30 =	simm.s32 $0x80;
	v6 =	vld [tilespmem:s29+$0x8260];
	v2 =	vmul.f32 v15, v14;
	[tilespmem:s29+$0x10270] =	vst v0;
	v0 =	vmul.f32 v9, v3;
	v9 =	vadd.f32 v17, v19  }
0x46: {  	p0 =	por p2, p2;
	s31 =	simm.s32 $0x400;
	[tilespmem:s29+$0x10200] =	vst v16;
	v1 =	vmul.f32 v13, v12;
	v8 =	vld [tilespmem:s30+$0x270];
	v3 =	vmul.f32 v11, v10;
	v10 =	vadd.f32 v18, v20  }
.LBB2_3:
0x47: {  	p2 =	sne.s32 s31, $0xFE00;
	v11 =	vld [tilespmem:s30+$0x10270];
	[tilespmem:s29+$0x10210] =	vst v9;
	v0 =	vadd.f32 v7, v0  }
0x48: {  	v7 =	vld [tilespmem:s30+$0x200];
	[tilespmem:s29+$0x10220] =	vst v10;
	v3 =	vadd.f32 v4, v3  }
0x49: {  	v4 =	vld [tilespmem:s30+$0x8270];
	[tilespmem:s29+$0x10230] =	vst v0;
	v0 =	vadd.f32 v5, v1  }
0x4a: {  	v1 =	vld [tilespmem:s30+$0x10200];
	[tilespmem:s29+$0x10240] =	vst v3;
	v2 =	vadd.f32 v6, v2  }
0x4b: {  	v3 =	vld [tilespmem:s30+$0x210];
	[tilespmem:s29+$0x10250] =	vst v0  }
0x4c: {  	v0 =	vld [tilespmem:s30+$0x10210];
	v5 =	vmul.f32 v11, v8;
	[tilespmem:s29+$0x10260] =	vst v2;
	s29 =	smov.u32 s30  }
0x4d: {  	v2 =	vld [tilespmem:s29+$0x220]  }
0x4e: {  	v6 =	vld [tilespmem:s29+$0x10220];
	v4 =	vadd.f32 v4, v5  }
0x4f: {  	v5 =	vmul.f32 v1, v7;
	v1 =	vld [tilespmem:s29+$0x230]  }
0x50: {  	v7 =	vld [tilespmem:s29+$0x10230];
	[tilespmem:s29+$0x10270] =	vst v4  }
0x51: {  	v8 =	vmul.f32 v0, v3;
	v3 =	vld [tilespmem:s29+$0x240]  }
0x52: {  	v4 =	vld [tilespmem:s29+$0x10240]  }
0x53: {  	v10 =	vmul.f32 v6, v2;
	v2 =	vld [tilespmem:s29+$0x250]  }
0x54: {  	v6 =	vld [tilespmem:s29+$0x10250]  }
0x55: {  	v0 =	vmul.f32 v7, v1;
	v9 =	vld [tilespmem:s29+$0x260]  }
0x56: {  	v11 =	vld [tilespmem:s29+$0x10260]  }
0x57: {  	v12 =	vld [tilespmem:s29+$0x8200];
	v3 =	vmul.f32 v4, v3  }
0x58: {  	v13 =	vld [tilespmem:s29+$0x8210]  }
0x59: {  	v14 =	vld [tilespmem:s29+$0x8220];
	v1 =	vmul.f32 v6, v2  }
.Ltmp0:
0x5a: {  	v7 =	vld [tilespmem:s29+$0x8230];
	(pc) =	sbr.rel @p2 .LBB2_3-.Ltmp0, $4  }
0x5b: {  	v4 =	vld [tilespmem:s29+$0x8240];
	v2 =	vmul.f32 v11, v9  }
0x5c: {  	v11 =	vadd.f32 v12, v5;
	v5 =	vld [tilespmem:s29+$0x8250]  }
0x5d: {  	s30 =	sshra.s32 s31, $0x2;
	v9 =	vadd.f32 v13, v8;
	v6 =	vld [tilespmem:s29+$0x8260]  }
0x5e: {  	s31 =	sadd.s32 $0x200, s31;
	v8 =	vld [tilespmem:s30+$0x270];
	[tilespmem:s29+$0x10200] =	vst v11;
	v10 =	vadd.f32 v14, v10  }
0x5f: {  	v11 =	vld [tilespmem:s30+$0x10270]  }
0x60: {  	v12 =	vld [tilespmem:s30+$0x200]  }
0x61: {  	v13 =	vld [tilespmem:s30+$0x8270]  }
0x62: {  	v14 =	vld [tilespmem:s30+$0x10200]  }
0x63: {  	v15 =	vld [tilespmem:s30+$0x210]  }
0x64: {  	v16 =	vld [tilespmem:s30+$0x10210]  }
0x65: {  	v17 =	vld [tilespmem:s30+$0x10220]  }
0x66: {  	v54 =	vld [tilespmem:s30+$0x230]  }
0x67: {  	v18 =	vld [tilespmem:s30+$0x10230]  }
0x68: {  	v19 =	vld [tilespmem:s30+$0x10240]  }
0x69: {  	v20 =	vld [tilespmem:s30+$0x250]  }
0x6a: {  	v21 =	vld [tilespmem:s30+$0x10250]  }
0x6b: {  	v22 =	vld [tilespmem:s30+$0x260]  }
0x6c: {  	v23 =	vld [tilespmem:s30+$0x10260]  }
0x6d: {  	v24 =	vld [tilespmem:s30+$0x8200];
	v8 =	vmul.f32 v11, v8  }
0x6e: {  	v0 =	vadd.f32 v7, v0;
	v7 =	vld [tilespmem:s30+$0x8210]  }
0x6f: {  	[tilespmem:s29+$0x10210] =	vst v9;
	v11 =	vld [tilespmem:s30+$0x220];
	v8 =	vadd.f32 v13, v8  }
0x70: {  	[tilespmem:s29+$0x10220] =	vst v10;
	v3 =	vadd.f32 v4, v3;
	v4 =	vld [tilespmem:s30+$0x8220]  }
0x71: {  	[tilespmem:s30+$0x10270] =	vst v8;
	v8 =	vld [tilespmem:s30+$0x240]  }
0x72: {  	[tilespmem:s29+$0x10230] =	vst v0;
	v0 =	vadd.f32 v5, v1;
	v5 =	vld [tilespmem:s30+$0x8230];
	v1 =	vmul.f32 v14, v12  }
0x73: {  	[tilespmem:s29+$0x10240] =	vst v3;
	v2 =	vadd.f32 v6, v2;
	v6 =	vld [tilespmem:s30+$0x8240];
	v3 =	vmul.f32 v16, v15  }
0x74: {  	v9 =	vld [tilespmem:s30+$0x8250];
	[tilespmem:s29+$0x10250] =	vst v0;
	v1 =	vadd.f32 v24, v1;
	v0 =	vmul.f32 v17, v11  }
0x75: {  	[tilespmem:s29+$0x10260] =	vst v2;
	v2 =	vmul.f32 v18, v54;
	v3 =	vadd.f32 v7, v3;
	v7 =	vld [tilespmem:s30+$0x8260]  }
0x76: {  	[tilespmem:s30+$0x10200] =	vst v1;
	v0 =	vadd.f32 v4, v0;
	v8 =	vmul.f32 v19, v8  }
0x77: {  	v2 =	vadd.f32 v5, v2;
	v1 =	vmul.f32 v21, v20;
	[tilespmem:s30+$0x10210] =	vst v3  }
0x78: {  	v3 =	vmul.f32 v23, v22;
	[tilespmem:s30+$0x10220] =	vst v0;
	v0 =	vadd.f32 v6, v8  }
0x79: {  	[tilespmem:s30+$0x10230] =	vst v2;
	v1 =	vadd.f32 v9, v1  }
0x7a: {  	[tilespmem:s30+$0x10240] =	vst v0;
	v0 =	vadd.f32 v7, v3  }
0x7b: {  	s26 =	sshll.u32 s26, $0xC;
	[tilespmem:s30+$0x10250] =	vst v1  }
0x7c: {  	s26 =	sadd.s32 s26, s10;
	[tilespmem:s30+$0x10260] =	vst v0  }
0x7d: {  	[hbm4b:s26+s6] =	stream.linear.scatter [tilespmem:s12], [sflag:$0x4], $0x4000, $0x38;
	[tilespmem:$0x18200] =	vst v63  }
0x7e: {  	_ =	swait.ge [sflag:s21], $0x4000  }
0x7f: {  	[sflag:s21] =	ssyncset.done $0x0  }
0x80: {  	[sflag:s21] =	ssyncadd.s32 $0xFFFFC000  }
0x81: {  	_ =	swait.ge [sflag:s21], $0x4000  }
0x82: {  	[sflag:s21] =	ssyncset.done $0x0  }
0x83: {  	[sflag:s21] =	ssyncadd.s32 $0xFFFFC000  }
0x84: {  	_ =	swait.ge [sflag:s21], $0x4000  }
0x85: {  	[sflag:s21] =	ssyncset.done $0x0  }
0x86: {  	s26 =	simm.s32 @!p1 $0x4;
	[sflag:s21] =	ssyncadd.s32 $0xFFFFC000  }
0x87: {  	_ =	swait.ge @!p1 [sflag:s26], $0x4000  }
0x88: {  	s29 =	simm.s32 @!p1 $0x200;
	[sflag:s26] =	ssyncset.done @!p1 $0x0  }
0x89: {  	[sflag:s26] =	ssyncadd.s32 @!p1 $0xFFFFC000;
	s26 =	sadd.s32 @!p1 $0x100, s28;
	s28 =	simm.s32 @!p1 $0x80  }
0x8a: {  	[tilespmem:s29], [sflag:$0x2] =	stream.indirect.gather @!p1 [hbm4b:s2+s28], $0x80, s26, s28, $0xb8;
	[tilespmem:$0x18200] =	vst v63  }
0x8b: {  	s29 =	simm.s32 @!p1 $0x8200  }
0x8c: {  	[tilespmem:s29], [sflag:$0x2] =	stream.indirect.gather @!p1 [hbm4b:s3+s28], $0x80, s26, s28, $0xb8;
	[tilespmem:$0x18200] =	vst v63  }
0x8d: {  	s26 =	sadd.s32 @!p1 s7, s26  }
0x8e: {  	s26 =	sshll.u32 @!p1 s26, $0x4  }
0x8f: {  	s28 =	simm.s32 @!p1 $0x0;
	s29 =	simm.s32 @!p1 $0x10200;
	s26 =	sadd.s32 @!p1 s1, s26  }
0x90: {  	[tilespmem:s29], [sflag:$0x2] =	stream.linear.gather @!p1 [hbm4b:s26+s28], $0x4000, $0x38;
	[tilespmem:$0x18200] =	vst v63  }
0x91: {  	s26 =	simm.s32 $0x0  }
0x92: {  	v0 =	vld [tilespmem:s26+$0x4270]  }
0x93: {  	v1 =	vld [tilespmem:s26+$0x14270]  }
0x94: {  	v2 =	vld [tilespmem:s26+$0x4200]  }
0x95: {  	v3 =	vld [tilespmem:s26+$0xC270]  }
0x96: {  	v4 =	vld [tilespmem:s26+$0x14200]  }
0x97: {  	v5 =	vld [tilespmem:s26+$0x4210]  }
0x98: {  	v6 =	vld [tilespmem:s26+$0x14210]  }
0x99: {  	v8 =	vld [tilespmem:s26+$0x14220]  }
0x9a: {  	v9 =	vld [tilespmem:s26+$0x14230]  }
0x9b: {  	v10 =	vld [tilespmem:s26+$0x4240]  }
0x9c: {  	v11 =	vld [tilespmem:s26+$0x14240]  }
0x9d: {  	v55 =	vld [tilespmem:s26+$0x4250]  }
0x9e: {  	v56 =	vld [tilespmem:s26+$0x14250]  }
0x9f: {  	v57 =	vld [tilespmem:s26+$0x4260]  }
0xa0: {  	v58 =	vld [tilespmem:s26+$0x14260]  }
0xa1: {  	v59 =	vld [tilespmem:s26+$0xC200]  }
0xa2: {  	v60 =	vld [tilespmem:s26+$0xC210];
	v0 =	vmul.f32 v1, v0  }
0xa3: {  	v1 =	vld [tilespmem:s26+$0x4220]  }
0xa4: {  	v0 =	vadd.f32 v3, v0;
	v3 =	vld [tilespmem:s26+$0x4230]  }
0xa5: {  	v61 =	vld [tilespmem:s26+$0xC220]  }
0xa6: {  	v7 =	vld [tilespmem:s26+$0xC230];
	v2 =	vmul.f32 v4, v2  }
0xa7: {  	v62 =	vmul.f32 v6, v5;
	v4 =	vld [tilespmem:s26+$0xC240]  }
0xa8: {  	v5 =	vld [tilespmem:s26+$0xC250];
	v16 =	vadd.f32 v59, v2;
	v63 =	vmul.f32 v8, v1  }
0xa9: {  	s28 =	simm.s32 $0x80;
	v6 =	vld [tilespmem:s26+$0xC260];
	v2 =	vmul.f32 v58, v57;
	[tilespmem:s26+$0x14270] =	vst v0;
	v0 =	vmul.f32 v9, v3;
	v9 =	vadd.f32 v60, v62  }
0xaa: {  	s29 =	simm.s32 $0x400;
	[tilespmem:s26+$0x14200] =	vst v16;
	v1 =	vmul.f32 v56, v55;
	v8 =	vld [tilespmem:s28+$0x4270];
	v3 =	vmul.f32 v11, v10;
	v10 =	vadd.f32 v61, v63  }
.LBB2_5:
0xab: {  	p1 =	sne.s32 s29, $0xFE00;
	v11 =	vld [tilespmem:s28+$0x14270];
	[tilespmem:s26+$0x14210] =	vst v9;
	v0 =	vadd.f32 v7, v0  }
0xac: {  	v7 =	vld [tilespmem:s28+$0x4200];
	[tilespmem:s26+$0x14220] =	vst v10;
	v3 =	vadd.f32 v4, v3  }
0xad: {  	v4 =	vld [tilespmem:s28+$0xC270];
	[tilespmem:s26+$0x14230] =	vst v0;
	v0 =	vadd.f32 v5, v1  }
0xae: {  	v1 =	vld [tilespmem:s28+$0x14200];
	[tilespmem:s26+$0x14240] =	vst v3;
	v2 =	vadd.f32 v6, v2  }
0xaf: {  	v3 =	vld [tilespmem:s28+$0x4210];
	[tilespmem:s26+$0x14250] =	vst v0  }
0xb0: {  	v0 =	vld [tilespmem:s28+$0x14210];
	v5 =	vmul.f32 v11, v8;
	[tilespmem:s26+$0x14260] =	vst v2;
	s26 =	smov.u32 s28  }
0xb1: {  	v2 =	vld [tilespmem:s26+$0x4220]  }
0xb2: {  	v6 =	vld [tilespmem:s26+$0x14220];
	v4 =	vadd.f32 v4, v5  }
0xb3: {  	v5 =	vmul.f32 v1, v7;
	v1 =	vld [tilespmem:s26+$0x4230]  }
0xb4: {  	v7 =	vld [tilespmem:s26+$0x14230];
	[tilespmem:s26+$0x14270] =	vst v4  }
0xb5: {  	v8 =	vmul.f32 v0, v3;
	v3 =	vld [tilespmem:s26+$0x4240]  }
0xb6: {  	v4 =	vld [tilespmem:s26+$0x14240]  }
0xb7: {  	v10 =	vmul.f32 v6, v2;
	v2 =	vld [tilespmem:s26+$0x4250]  }
0xb8: {  	v6 =	vld [tilespmem:s26+$0x14250]  }
0xb9: {  	v0 =	vmul.f32 v7, v1;
	v9 =	vld [tilespmem:s26+$0x4260]  }
0xba: {  	v11 =	vld [tilespmem:s26+$0x14260]  }
0xbb: {  	v12 =	vld [tilespmem:s26+$0xC200];
	v3 =	vmul.f32 v4, v3  }
0xbc: {  	v13 =	vld [tilespmem:s26+$0xC210]  }
0xbd: {  	v14 =	vld [tilespmem:s26+$0xC220];
	v1 =	vmul.f32 v6, v2  }
.Ltmp1:
0xbe: {  	v7 =	vld [tilespmem:s26+$0xC230];
	(pc) =	sbr.rel @p1 .LBB2_5-.Ltmp1, $4  }
0xbf: {  	v4 =	vld [tilespmem:s26+$0xC240];
	v2 =	vmul.f32 v11, v9  }
0xc0: {  	v11 =	vadd.f32 v12, v5;
	v5 =	vld [tilespmem:s26+$0xC250]  }
0xc1: {  	s28 =	sshra.s32 s29, $0x2;
	v9 =	vadd.f32 v13, v8;
	v6 =	vld [tilespmem:s26+$0xC260]  }
0xc2: {  	s29 =	sadd.s32 $0x200, s29;
	v8 =	vld [tilespmem:s28+$0x4270];
	[tilespmem:s26+$0x14200] =	vst v11;
	v10 =	vadd.f32 v14, v10  }
0xc3: {  	v11 =	vld [tilespmem:s28+$0x14270]  }
0xc4: {  	v12 =	vld [tilespmem:s28+$0x4200]  }
0xc5: {  	v13 =	vld [tilespmem:s28+$0xC270]  }
0xc6: {  	v14 =	vld [tilespmem:s28+$0x14200]  }
0xc7: {  	v15 =	vld [tilespmem:s28+$0x4210]  }
0xc8: {  	v16 =	vld [tilespmem:s28+$0x14210]  }
0xc9: {  	v46 =	vld [tilespmem:s28+$0x4220]  }
0xca: {  	v17 =	vld [tilespmem:s28+$0x14220]  }
0xcb: {  	v47 =	vld [tilespmem:s28+$0x4230]  }
0xcc: {  	v18 =	vld [tilespmem:s28+$0x14230]  }
0xcd: {  	v48 =	vld [tilespmem:s28+$0x4240]  }
0xce: {  	v19 =	vld [tilespmem:s28+$0x14240]  }
0xcf: {  	v20 =	vld [tilespmem:s28+$0x4250]  }
0xd0: {  	v21 =	vld [tilespmem:s28+$0x14250]  }
0xd1: {  	v22 =	vld [tilespmem:s28+$0x4260]  }
0xd2: {  	v23 =	vld [tilespmem:s28+$0x14260]  }
0xd3: {  	v24 =	vld [tilespmem:s28+$0xC200];
	[tilespmem:s26+$0x14210] =	vst v9;
	v0 =	vadd.f32 v7, v0  }
0xd4: {  	v49 =	vld [tilespmem:s28+$0xC210];
	[tilespmem:s26+$0x14220] =	vst v10;
	v3 =	vadd.f32 v4, v3  }
0xd5: {  	v50 =	vld [tilespmem:s28+$0xC220];
	[tilespmem:s26+$0x14230] =	vst v0;
	v51 =	vadd.f32 v5, v1;
	v8 =	vmul.f32 v11, v8  }
0xd6: {  	v53 =	vld [tilespmem:s28+$0xC230];
	[tilespmem:s26+$0x14240] =	vst v3;
	v2 =	vadd.f32 v6, v2;
	v52 =	vmul.f32 v14, v12  }
0xd7: {  	v59 =	vld [tilespmem:s28+$0xC260];
	[tilespmem:s26+$0x14250] =	vst v51;
	v54 =	vmul.f32 v16, v15;
	v8 =	vadd.f32 v13, v8  }
0xd8: {  	v57 =	vld [tilespmem:s28+$0xC250];
	v56 =	vmul.f32 v17, v46;
	[tilespmem:s26+$0x14260] =	vst v2;
	v1 =	vadd.f32 v24, v52  }
0xd9: {  	v55 =	vld [tilespmem:s28+$0xC240];
	v58 =	vmul.f32 v18, v47;
	v3 =	vadd.f32 v49, v54;
	[tilespmem:s28+$0x14270] =	vst v8  }
0xda: {  	v61 =	vmul.f32 v23, v22;
	v0 =	vadd.f32 v50, v56;
	[tilespmem:s28+$0x14200] =	vst v1  }
0xdb: {  	v60 =	vmul.f32 v21, v20;
	v2 =	vadd.f32 v53, v58;
	[tilespmem:s28+$0x14210] =	vst v3  }
0xdc: {  	v63 =	vadd.f32 v59, v61;
	v8 =	vmul.f32 v19, v48;
	[tilespmem:s28+$0x14220] =	vst v0  }
.Ltmp2:
0xdd: {  	[tilespmem:s28+$0x14230] =	vst v2;
	v1 =	vadd.f32 v57, v60;
	(pc) =	sbr.rel @p0 .LBB2_2-.Ltmp2, $4  }
0xde: {  	[tilespmem:s28+$0x14260] =	vst v63;
	v62 =	vadd.f32 v55, v8  }
0xdf: {  	s25 =	sadd.s32 s5, s25;
	[tilespmem:s28+$0x14250] =	vst v1  }
0xe0: {  	p2 =	por $0x0, $0x0;
	p1 =	por $0x1, $0x1;
	s26 =	simm.s32 $0x1;
	[tilespmem:s28+$0x14240] =	vst v62  }
0xe1: {  	[hbm4b:s25+s6] =	stream.linear.scatter [tilespmem:s20], [sflag:$0x5], $0x4000, $0x38;
	[tilespmem:$0x18200] =	vst v63  }
0xe2: {  	s24 =	sadd.s32 $0x1, s24  }
0xe3: {  	_ =	swait.ge [sflag:s22], $0x4000;
	p0 =	sne.s32 s24, s11  }
.Ltmp3:
0xe4: {  	[sflag:s22] =	ssyncset.done $0x0;
	(pc) =	sbr.rel @p0 .LBB2_1-.Ltmp3, $4  }
0xe5: {  	[sflag:s22] =	ssyncadd.s32 $0xFFFFC000  }
0xe6: {  	_ =	swait.ge [sflag:s23], $0x4000  }
0xe7: {  	[sflag:s23] =	ssyncset.done $0x0  }
0xe8: {  	[sflag:s23] =	ssyncadd.s32 $0xFFFFC000  }
0xe9: {  	_ =	sfence.sel $0x180000  }
0xea: {  	[bflag:$0x0] =	sbarrier.arrive $0xFFFF  }
0xeb: {  	p0 =	sne.s32 s4, $0x0;
	_ =	strace $0x90000047  }
0xec: {  	s0 =	sadd.s32 @!p0 $0x100000, s0;
	[bflag:$0x2] =	sbarrier.arrive $0xFFFF  }
0xed: {  	[sflag:s0] =	ssyncadd.tile.s32 @!p0 $0x1;
	_ =	shalt  }
.Lfunc_end2:
_tile_overlayer_lowered:
.L_overlay_start_2:
0xee: {  	(tag) =	ssettag $0x2  }
0xef: {  	s0 =	rddreg [dreg:$0x0];
	s2 =	stileid.u32  }
0xf0: {  	s1 =	rddreg [dreg:$0x1];
	p0 =	sne.s32 s2, $0x0  }
0xf1: {  	s3 =	rddreg [dreg:$0x2];
	[bflag:$0x3] =	sbarrier.arrive $0xFFFF;
	s2 =	simm.s32 @!p0 $0x1C06  }
0xf2: {  	[timem:s3], [sflag:s2] =	dma.local @!p0 [hbm:s0], s1  }
0xf3: {  	s0 =	simm.s32 @!p0 $0x6  }
0xf4: {  	_ =	swait.ge @!p0 [sflag:s0], s1  }
0xf5: {  	s1 =	ssub.s32 @!p0 $0x0, s1;
	[sflag:s0] =	ssyncset.done @!p0 $0x0  }
0xf6: {  	[sflag:s0] =	ssyncadd.s32 @!p0 s1  }
0xf7: {  	[bflag:$0x3] =	sbarrier.arrive $0xFFFF  }
0xf8: {  	_ =	shalt  }

</sc_bundles>
